<compile_context>
chip_gen: v7x
topology: tpu7x:2x2x1
jax: 0.10.2.dev20260603
libtpu: 0.0.44.dev20260713+nightly
codegen_flags: <defaults>
</compile_context>

<pallas_src>
import functools

import jax
import jax.numpy as jnp
from jax import lax
from jax.experimental import pallas as pl
from jax.experimental.pallas import tpu as pltpu
from jax.experimental.pallas import tpu_sc as plsc

B = 16384
D = 64
NC = 2
NS = 16
NW = NC * NS
BPW = B // NW
L = 16
BROWS = 62500


def _mf_body(u_hbm, v_hbm, ue_hbm, ie_hbm, ub_hbm, ib_hbm, out_hbm,
             uidx, vidx, ubg, vbg, urows, vrows, bub, bvb, obuf, pacc,
             sem):
    wid = lax.axis_index("s") * NC + lax.axis_index("c")
    base = wid * BPW

    pltpu.sync_copy(u_hbm.at[pl.ds(base, BPW)], uidx)
    pltpu.sync_copy(v_hbm.at[pl.ds(base, BPW)], vidx)

    cu = pltpu.async_copy(ue_hbm.at[uidx], urows, sem)
    cv = pltpu.async_copy(ie_hbm.at[vidx], vrows, sem)

    def shift(k, carry):
        ubg[pl.ds(k * L, L)] = lax.shift_right_logical(uidx[pl.ds(k * L, L)], 4)
        vbg[pl.ds(k * L, L)] = lax.shift_right_logical(vidx[pl.ds(k * L, L)], 4)
        return carry

    lax.fori_loop(0, BPW // L, shift, 0)

    cbu = pltpu.async_copy(ub_hbm.at[ubg], bub, sem)
    cbv = pltpu.async_copy(ib_hbm.at[vbg], bvb, sem)
    cu.wait()
    cv.wait()
    cbu.wait()
    cbv.wait()

    lanes = lax.iota(jnp.int32, L)
    lmask = jnp.full((L,), 15, jnp.int32)

    def block(kb, carry):
        for r in range(L):
            rr = kb * L + r
            acc = urows[rr, pl.ds(0, L)] * vrows[rr, pl.ds(0, L)]
            for c in range(1, D // L):
                acc = acc + urows[rr, pl.ds(c * L, L)] * vrows[rr, pl.ds(c * L, L)]
            pacc[pl.ds(r * L, L)] = acc
        tot = plsc.load_gather(pacc, [lanes * L])
        for t in range(1, L):
            tot = tot + plsc.load_gather(pacc, [lanes * L + t])
        rows = kb * L + lanes
        ulan = jnp.bitwise_and(uidx[pl.ds(kb * L, L)], lmask)
        vlan = jnp.bitwise_and(vidx[pl.ds(kb * L, L)], lmask)
        x = tot + plsc.load_gather(bub, [rows, ulan]) \
            + plsc.load_gather(bvb, [rows, vlan])
        obuf[pl.ds(kb * L, L)] = 1.0 / (1.0 + jnp.exp(-x))
        return carry

    lax.fori_loop(0, BPW // L, block, 0)

    pltpu.sync_copy(obuf, out_hbm.at[pl.ds(base, BPW)])


@jax.jit
def _mf(u, v, user_emb, item_emb, user_bias, item_bias):
    mesh = plsc.VectorSubcoreMesh(core_axis_name="c", subcore_axis_name="s")
    run = functools.partial(
        pl.kernel,
        mesh=mesh,
        out_type=jax.ShapeDtypeStruct((B,), jnp.float32),
        scratch_types=[
            pltpu.VMEM((BPW,), jnp.int32),
            pltpu.VMEM((BPW,), jnp.int32),
            pltpu.VMEM((BPW,), jnp.int32),
            pltpu.VMEM((BPW,), jnp.int32),
            pltpu.VMEM((BPW, D), jnp.float32),
            pltpu.VMEM((BPW, D), jnp.float32),
            pltpu.VMEM((BPW, 16), jnp.float32),
            pltpu.VMEM((BPW, 16), jnp.float32),
            pltpu.VMEM((BPW,), jnp.float32),
            pltpu.VMEM((L * L,), jnp.float32),
            pltpu.SemaphoreType.DMA,
        ],
        compiler_params=pltpu.CompilerParams(
            needs_layout_passes=False,
            use_tc_tiling_on_sc=False,
        ),
    )(_mf_body)
    ub2 = user_bias.reshape(BROWS, 16)
    ib2 = item_bias.reshape(BROWS, 16)
    return run(u, v, user_emb, item_emb, ub2, ib2)


def kernel(u, v, user_emb, item_emb, user_bias, item_bias):
    return _mf(u, v, user_emb, item_emb, user_bias, item_bias)

# --- scband reference (transcript-rebuilt; emitter-appended) ---
"""Pipeline reference for scband-matrix-factorization-53343493817049 (READ-ONLY COPY).

The authoritative reference and input builder live on the scoring server;
editing this copy changes nothing except your own understanding.
"""

import jax, jax.numpy as jnp
import numpy as np

NUM_USERS = 1000000
NUM_ITEMS = 1000000
EMB_SIZE = 64
BATCH = 16384


def setup_inputs(seed: int = 0) -> dict:
    key = jax.random.key(seed)
    k_u, k_v, k_ue, k_ie, k_ub, k_ib = jax.random.split(key, 6)
    u = jax.random.randint(k_u, (BATCH,), 0, NUM_USERS, dtype=jnp.int64 if jax.config.jax_enable_x64 else jnp.int32)
    v = jax.random.randint(k_v, (BATCH,), 0, NUM_ITEMS, dtype=jnp.int64 if jax.config.jax_enable_x64 else jnp.int32)
    user_emb = jax.random.uniform(k_ue, (NUM_USERS, EMB_SIZE), minval=0.0, maxval=0.05, dtype=jnp.float32)
    item_emb = jax.random.uniform(k_ie, (NUM_ITEMS, EMB_SIZE), minval=0.0, maxval=0.05, dtype=jnp.float32)
    user_bias = jax.random.uniform(k_ub, (NUM_USERS, 1), minval=-0.01, maxval=0.01, dtype=jnp.float32)
    item_bias = jax.random.uniform(k_ib, (NUM_ITEMS, 1), minval=-0.01, maxval=0.01, dtype=jnp.float32)
    return {"u": u, "v": v, "user_emb": user_emb, "item_emb": item_emb, "user_bias": user_bias, "item_bias": item_bias}


def reference(u, v, user_emb, item_emb, user_bias, item_bias):
    U = jnp.take(user_emb, u, axis=0)
    V = jnp.take(item_emb, v, axis=0)
    b_u = jnp.take(user_bias, u, axis=0).squeeze(-1)
    b_v = jnp.take(item_bias, v, axis=0).squeeze(-1)
    out = jax.nn.sigmoid((U * V).sum(axis=1) + b_u + b_v)
    return out

if __name__ == "__main__":
    import jax
    _d = setup_inputs()
    print(jax.jit(kernel)(*tuple(_d.values())))

</pallas_src>

<mosaic_0001>
#map = affine_map<(d0, d1) -> (0)>
#map1 = affine_map<(d0, d1) -> (0, 0)>
module attributes {stable_mosaic.version = 14 : i64} {
  func.func @_mf_body(%arg0: i32, %arg1: i32, %arg2: memref<16384xi32, #tpu.memory_space<hbm>>, %arg3: memref<16384xi32, #tpu.memory_space<hbm>>, %arg4: memref<1000000x64xf32, #tpu.memory_space<hbm>>, %arg5: memref<1000000x64xf32, #tpu.memory_space<hbm>>, %arg6: memref<62500x16xf32, #tpu.memory_space<hbm>>, %arg7: memref<62500x16xf32, #tpu.memory_space<hbm>>, %arg8: memref<16384xf32, #tpu.memory_space<hbm>>, %arg9: memref<512xi32, #tpu.memory_space<vmem>>, %arg10: memref<512xi32, #tpu.memory_space<vmem>>, %arg11: memref<512xi32, #tpu.memory_space<vmem>>, %arg12: memref<512xi32, #tpu.memory_space<vmem>>, %arg13: memref<512x64xf32, #tpu.memory_space<vmem>>, %arg14: memref<512x64xf32, #tpu.memory_space<vmem>>, %arg15: memref<512x16xf32, #tpu.memory_space<vmem>>, %arg16: memref<512x16xf32, #tpu.memory_space<vmem>>, %arg17: memref<512xf32, #tpu.memory_space<vmem>>, %arg18: memref<256xf32, #tpu.memory_space<vmem>>, %arg19: memref<!tpu.dma_semaphore, #tpu.memory_space<semaphore_mem>>) attributes {dimension_semantics = [#tpu.dimension_semantics<core_parallel>, #tpu.dimension_semantics<subcore_parallel>], iteration_bounds = array<i64: 2, 16>, scalar_prefetch = 0 : i64, scratch_operands = 11 : i64, tpu.core_type = #tpu.core_type<sc_vector_subcore>, window_params = [{transform_indices = #map}, {transform_indices = #map}, {transform_indices = #map1}, {transform_indices = #map1}, {transform_indices = #map1}, {transform_indices = #map1}, {transform_indices = #map}]} {
    %mul3A = arith.constant 2 : i32
    %mul3A_0 = arith.muli %arg1, %mul3A : i32
    %add3A = arith.addi %mul3A_0, %arg0 : i32
    %mul3A_1 = arith.constant 512 : i32
    %mul3A_2 = arith.muli %add3A, %mul3A_1 : i32
    "tpu.region"() ({
      %run_scoped3A = tpu.sem_alloc : memref<!tpu.dma_semaphore, #tpu.memory_space<semaphore_mem>>
      %dma_start3A_37 = tpu.memref_slice %arg2[%mul3A_2] : memref<16384xi32, #tpu.memory_space<hbm>> -> memref<512xi32, #tpu.memory_space<hbm>>
      %dma_start3A_38 = tpu.memref_slice %arg2[%mul3A_2] : memref<16384xi32, #tpu.memory_space<hbm>> -> memref<512xi32, #tpu.memory_space<hbm>>
      tpu.enqueue_dma source(%dma_start3A_38 : memref<512xi32, #tpu.memory_space<hbm>>) target(%arg9 : memref<512xi32, #tpu.memory_space<vmem>>) target_semaphore(%run_scoped3A : memref<!tpu.dma_semaphore, #tpu.memory_space<semaphore_mem>>)
      %dma_wait3A_39 = tpu.memref_slice %arg2[%mul3A_2] : memref<16384xi32, #tpu.memory_space<hbm>> -> memref<512xi32, #tpu.memory_space<hbm>>
      %dma_wait3A_40 = tpu.memref_slice %arg2[%mul3A_2] : memref<16384xi32, #tpu.memory_space<hbm>> -> memref<512xi32, #tpu.memory_space<hbm>>
      tpu.wait_dma2 semaphore(%run_scoped3A : memref<!tpu.dma_semaphore, #tpu.memory_space<semaphore_mem>>) src(%dma_wait3A_40 : memref<512xi32, #tpu.memory_space<hbm>>) dst(%arg9 : memref<512xi32, #tpu.memory_space<vmem>>)
      tpu.yield
    }) : () -> ()
    "tpu.region"() ({
      %run_scoped3A = tpu.sem_alloc : memref<!tpu.dma_semaphore, #tpu.memory_space<semaphore_mem>>
      %dma_start3A_37 = tpu.memref_slice %arg3[%mul3A_2] : memref<16384xi32, #tpu.memory_space<hbm>> -> memref<512xi32, #tpu.memory_space<hbm>>
      %dma_start3A_38 = tpu.memref_slice %arg3[%mul3A_2] : memref<16384xi32, #tpu.memory_space<hbm>> -> memref<512xi32, #tpu.memory_space<hbm>>
      tpu.enqueue_dma source(%dma_start3A_38 : memref<512xi32, #tpu.memory_space<hbm>>) target(%arg10 : memref<512xi32, #tpu.memory_space<vmem>>) target_semaphore(%run_scoped3A : memref<!tpu.dma_semaphore, #tpu.memory_space<semaphore_mem>>)
      %dma_wait3A_39 = tpu.memref_slice %arg3[%mul3A_2] : memref<16384xi32, #tpu.memory_space<hbm>> -> memref<512xi32, #tpu.memory_space<hbm>>
      %dma_wait3A_40 = tpu.memref_slice %arg3[%mul3A_2] : memref<16384xi32, #tpu.memory_space<hbm>> -> memref<512xi32, #tpu.memory_space<hbm>>
      tpu.wait_dma2 semaphore(%run_scoped3A : memref<!tpu.dma_semaphore, #tpu.memory_space<semaphore_mem>>) src(%dma_wait3A_40 : memref<512xi32, #tpu.memory_space<hbm>>) dst(%arg10 : memref<512xi32, #tpu.memory_space<vmem>>)
      tpu.yield
    }) : () -> ()
    %dma_start3A = arith.constant 0 : i32
    %dma_start3A_3 = arith.constant 0 : i32
    %dma_start3A_4 = tpu.memref_slice %arg4[%dma_start3A, %dma_start3A_3] : memref<1000000x64xf32, #tpu.memory_space<hbm>> -> memref<1000000x64xf32, #tpu.memory_space<hbm>>
    tpu.enqueue_indirect_dma source(%dma_start3A_4 : memref<1000000x64xf32, #tpu.memory_space<hbm>>) target(%arg13 : memref<512x64xf32, #tpu.memory_space<vmem>>) offsets(%arg9 : memref<512xi32, #tpu.memory_space<vmem>>) semaphore(%arg19 : memref<!tpu.dma_semaphore, #tpu.memory_space<semaphore_mem>>)
    %dma_start3A_5 = arith.constant 0 : i32
    %dma_start3A_6 = arith.constant 0 : i32
    %dma_start3A_7 = tpu.memref_slice %arg5[%dma_start3A_5, %dma_start3A_6] : memref<1000000x64xf32, #tpu.memory_space<hbm>> -> memref<1000000x64xf32, #tpu.memory_space<hbm>>
    tpu.enqueue_indirect_dma source(%dma_start3A_7 : memref<1000000x64xf32, #tpu.memory_space<hbm>>) target(%arg14 : memref<512x64xf32, #tpu.memory_space<vmem>>) offsets(%arg10 : memref<512xi32, #tpu.memory_space<vmem>>) semaphore(%arg19 : memref<!tpu.dma_semaphore, #tpu.memory_space<semaphore_mem>>)
    %scan3A = arith.constant 0 : i32
    %scan3A_8 = arith.constant 0 : i32
    %scan3A_9 = arith.constant 32 : i32
    %scan3A_10 = arith.addi %scan3A_8, %scan3A_9 : i32
    %scan3A_11 = arith.constant 1 : i32
    scf.for %scan3A_37 = %scan3A_8 to %scan3A_10 step %scan3A_11  : i32 {
      %mul3A_38 = arith.constant 16 : i32
      %mul3A_39 = arith.muli %scan3A_37, %mul3A_38 : i32
      %get3A = arith.index_cast %mul3A_39 : i32 to index
      %get3A_40 = tpu.vector_load %arg9[%get3A] {strides = array<i32>} : memref<512xi32, #tpu.memory_space<vmem>>, vector<16xi32>,
      %shift_right_logical3A = arith.constant 4 : i32
      %shift_right_logical3A_41 = vector.broadcast %shift_right_logical3A : i32 to vector<16xi32>
      %shift_right_logical3A_42 = arith.shrui %get3A_40, %shift_right_logical3A_41 : vector<16xi32>
      %mul3A_43 = arith.constant 16 : i32
      %mul3A_44 = arith.muli %scan3A_37, %mul3A_43 : i32
      %swap3A = arith.index_cast %mul3A_44 : i32 to index
      %swap3A_45 = tpu.vector_load %arg11[%swap3A] {strides = array<i32>} : memref<512xi32, #tpu.memory_space<vmem>>, vector<16xi32>,
      tpu.vector_store %arg11[%swap3A], %shift_right_logical3A_42 {strides = array<i32>} : memref<512xi32, #tpu.memory_space<vmem>>, vector<16xi32>,
      %mul3A_46 = arith.constant 16 : i32
      %mul3A_47 = arith.muli %scan3A_37, %mul3A_46 : i32
      %get3A_48 = arith.index_cast %mul3A_47 : i32 to index
      %get3A_49 = tpu.vector_load %arg10[%get3A_48] {strides = array<i32>} : memref<512xi32, #tpu.memory_space<vmem>>, vector<16xi32>,
      %shift_right_logical3A_50 = arith.constant 4 : i32
      %shift_right_logical3A_51 = vector.broadcast %shift_right_logical3A_50 : i32 to vector<16xi32>
      %shift_right_logical3A_52 = arith.shrui %get3A_49, %shift_right_logical3A_51 : vector<16xi32>
      %mul3A_53 = arith.constant 16 : i32
      %mul3A_54 = arith.muli %scan3A_37, %mul3A_53 : i32
      %swap3A_55 = arith.index_cast %mul3A_54 : i32 to index
      %swap3A_56 = tpu.vector_load %arg12[%swap3A_55] {strides = array<i32>} : memref<512xi32, #tpu.memory_space<vmem>>, vector<16xi32>,
      tpu.vector_store %arg12[%swap3A_55], %shift_right_logical3A_52 {strides = array<i32>} : memref<512xi32, #tpu.memory_space<vmem>>, vector<16xi32>,
    }
    %scan3A_12 = arith.constant 32 : i32
    %dma_start3A_13 = arith.constant 0 : i32
    %dma_start3A_14 = arith.constant 0 : i32
    %dma_start3A_15 = tpu.memref_slice %arg6[%dma_start3A_13, %dma_start3A_14] : memref<62500x16xf32, #tpu.memory_space<hbm>> -> memref<62500x16xf32, #tpu.memory_space<hbm>>
    tpu.enqueue_indirect_dma source(%dma_start3A_15 : memref<62500x16xf32, #tpu.memory_space<hbm>>) target(%arg15 : memref<512x16xf32, #tpu.memory_space<vmem>>) offsets(%arg11 : memref<512xi32, #tpu.memory_space<vmem>>) semaphore(%arg19 : memref<!tpu.dma_semaphore, #tpu.memory_space<semaphore_mem>>)
    %dma_start3A_16 = arith.constant 0 : i32
    %dma_start3A_17 = arith.constant 0 : i32
    %dma_start3A_18 = tpu.memref_slice %arg7[%dma_start3A_16, %dma_start3A_17] : memref<62500x16xf32, #tpu.memory_space<hbm>> -> memref<62500x16xf32, #tpu.memory_space<hbm>>
    tpu.enqueue_indirect_dma source(%dma_start3A_18 : memref<62500x16xf32, #tpu.memory_space<hbm>>) target(%arg16 : memref<512x16xf32, #tpu.memory_space<vmem>>) offsets(%arg12 : memref<512xi32, #tpu.memory_space<vmem>>) semaphore(%arg19 : memref<!tpu.dma_semaphore, #tpu.memory_space<semaphore_mem>>)
    %dma_wait3A = arith.constant 0 : i32
    %dma_wait3A_19 = arith.constant 0 : i32
    %dma_wait3A_20 = tpu.memref_slice %arg4[%dma_wait3A, %dma_wait3A_19] : memref<1000000x64xf32, #tpu.memory_space<hbm>> -> memref<1000000x64xf32, #tpu.memory_space<hbm>>
    tpu.wait_indirect_dma semaphore(%arg19 : memref<!tpu.dma_semaphore, #tpu.memory_space<semaphore_mem>>) src(%dma_wait3A_20 : memref<1000000x64xf32, #tpu.memory_space<hbm>>) dst(%arg13 : memref<512x64xf32, #tpu.memory_space<vmem>>)
    %dma_wait3A_21 = arith.constant 0 : i32
    %dma_wait3A_22 = arith.constant 0 : i32
    %dma_wait3A_23 = tpu.memref_slice %arg5[%dma_wait3A_21, %dma_wait3A_22] : memref<1000000x64xf32, #tpu.memory_space<hbm>> -> memref<1000000x64xf32, #tpu.memory_space<hbm>>
    tpu.wait_indirect_dma semaphore(%arg19 : memref<!tpu.dma_semaphore, #tpu.memory_space<semaphore_mem>>) src(%dma_wait3A_23 : memref<1000000x64xf32, #tpu.memory_space<hbm>>) dst(%arg14 : memref<512x64xf32, #tpu.memory_space<vmem>>)
    %dma_wait3A_24 = arith.constant 0 : i32
    %dma_wait3A_25 = arith.constant 0 : i32
    %dma_wait3A_26 = tpu.memref_slice %arg6[%dma_wait3A_24, %dma_wait3A_25] : memref<62500x16xf32, #tpu.memory_space<hbm>> -> memref<62500x16xf32, #tpu.memory_space<hbm>>
    tpu.wait_indirect_dma semaphore(%arg19 : memref<!tpu.dma_semaphore, #tpu.memory_space<semaphore_mem>>) src(%dma_wait3A_26 : memref<62500x16xf32, #tpu.memory_space<hbm>>) dst(%arg15 : memref<512x16xf32, #tpu.memory_space<vmem>>)
    %dma_wait3A_27 = arith.constant 0 : i32
    %dma_wait3A_28 = arith.constant 0 : i32
    %dma_wait3A_29 = tpu.memref_slice %arg7[%dma_wait3A_27, %dma_wait3A_28] : memref<62500x16xf32, #tpu.memory_space<hbm>> -> memref<62500x16xf32, #tpu.memory_space<hbm>>
    tpu.wait_indirect_dma semaphore(%arg19 : memref<!tpu.dma_semaphore, #tpu.memory_space<semaphore_mem>>) src(%dma_wait3A_29 : memref<62500x16xf32, #tpu.memory_space<hbm>>) dst(%arg16 : memref<512x16xf32, #tpu.memory_space<vmem>>)
    %iota3A = tpu.iota {dimensions = array<i32: 0>} : vector<16xi32>
    %broadcast_in_dim3A = arith.constant 15 : i32
    %broadcast_in_dim3A_30 = vector.broadcast %broadcast_in_dim3A : i32 to vector<16xi32>
    %scan3A_31 = arith.constant 0 : i32
    %scan3A_32 = arith.constant 0 : i32
    %scan3A_33 = arith.constant 32 : i32
    %scan3A_34 = arith.addi %scan3A_32, %scan3A_33 : i32
    %scan3A_35 = arith.constant 1 : i32
    scf.for %scan3A_37 = %scan3A_32 to %scan3A_34 step %scan3A_35  : i32 {
      %mul3A_38 = arith.constant 16 : i32
      %mul3A_39 = arith.muli %scan3A_37, %mul3A_38 : i32
      %add3A_40 = arith.constant 0 : i32
      %add3A_41 = arith.addi %mul3A_39, %add3A_40 : i32
      %get3A = arith.index_cast %add3A_41 : i32 to index
      %get3A_42 = arith.constant 0 : index
      %get3A_43 = tpu.vector_load %arg13[%get3A, %get3A_42] {strides = array<i32>} : memref<512x64xf32, #tpu.memory_space<vmem>>, vector<16xf32>,
      %get3A_44 = arith.index_cast %add3A_41 : i32 to index
      %get3A_45 = arith.constant 0 : index
      %get3A_46 = tpu.vector_load %arg14[%get3A_44, %get3A_45] {strides = array<i32>} : memref<512x64xf32, #tpu.memory_space<vmem>>, vector<16xf32>,
      %mul3A_47 = arith.mulf %get3A_43, %get3A_46 : vector<16xf32>
      %get3A_48 = arith.index_cast %add3A_41 : i32 to index
      %get3A_49 = arith.constant 16 : index
      %get3A_50 = tpu.vector_load %arg13[%get3A_48, %get3A_49] {strides = array<i32>} : memref<512x64xf32, #tpu.memory_space<vmem>>, vector<16xf32>,
      %get3A_51 = arith.index_cast %add3A_41 : i32 to index
      %get3A_52 = arith.constant 16 : index
      %get3A_53 = tpu.vector_load %arg14[%get3A_51, %get3A_52] {strides = array<i32>} : memref<512x64xf32, #tpu.memory_space<vmem>>, vector<16xf32>,
      %mul3A_54 = arith.mulf %get3A_50, %get3A_53 : vector<16xf32>
      %add3A_55 = arith.addf %mul3A_47, %mul3A_54 : vector<16xf32>
      %get3A_56 = arith.index_cast %add3A_41 : i32 to index
      %get3A_57 = arith.constant 32 : index
      %get3A_58 = tpu.vector_load %arg13[%get3A_56, %get3A_57] {strides = array<i32>} : memref<512x64xf32, #tpu.memory_space<vmem>>, vector<16xf32>,
      %get3A_59 = arith.index_cast %add3A_41 : i32 to index
      %get3A_60 = arith.constant 32 : index
      %get3A_61 = tpu.vector_load %arg14[%get3A_59, %get3A_60] {strides = array<i32>} : memref<512x64xf32, #tpu.memory_space<vmem>>, vector<16xf32>,
      %mul3A_62 = arith.mulf %get3A_58, %get3A_61 : vector<16xf32>
      %add3A_63 = arith.addf %add3A_55, %mul3A_62 : vector<16xf32>
      %get3A_64 = arith.index_cast %add3A_41 : i32 to index
      %get3A_65 = arith.constant 48 : index
      %get3A_66 = tpu.vector_load %arg13[%get3A_64, %get3A_65] {strides = array<i32>} : memref<512x64xf32, #tpu.memory_space<vmem>>, vector<16xf32>,
      %get3A_67 = arith.index_cast %add3A_41 : i32 to index
      %get3A_68 = arith.constant 48 : index
      %get3A_69 = tpu.vector_load %arg14[%get3A_67, %get3A_68] {strides = array<i32>} : memref<512x64xf32, #tpu.memory_space<vmem>>, vector<16xf32>,
      %mul3A_70 = arith.mulf %get3A_66, %get3A_69 : vector<16xf32>
      %add3A_71 = arith.addf %add3A_63, %mul3A_70 : vector<16xf32>
      %swap3A = arith.constant 0 : index
      %swap3A_72 = tpu.vector_load %arg18[%swap3A] {strides = array<i32>} : memref<256xf32, #tpu.memory_space<vmem>>, vector<16xf32>,
      tpu.vector_store %arg18[%swap3A], %add3A_71 {strides = array<i32>} : memref<256xf32, #tpu.memory_space<vmem>>, vector<16xf32>,
      %mul3A_73 = arith.constant 16 : i32
      %mul3A_74 = arith.muli %scan3A_37, %mul3A_73 : i32
      %add3A_75 = arith.constant 1 : i32
      %add3A_76 = arith.addi %mul3A_74, %add3A_75 : i32
      %get3A_77 = arith.index_cast %add3A_76 : i32 to index
      %get3A_78 = arith.constant 0 : index
      %get3A_79 = tpu.vector_load %arg13[%get3A_77, %get3A_78] {strides = array<i32>} : memref<512x64xf32, #tpu.memory_space<vmem>>, vector<16xf32>,
      %get3A_80 = arith.index_cast %add3A_76 : i32 to index
      %get3A_81 = arith.constant 0 : index
      %get3A_82 = tpu.vector_load %arg14[%get3A_80, %get3A_81] {strides = array<i32>} : memref<512x64xf32, #tpu.memory_space<vmem>>, vector<16xf32>,
      %mul3A_83 = arith.mulf %get3A_79, %get3A_82 : vector<16xf32>
      %get3A_84 = arith.index_cast %add3A_76 : i32 to index
      %get3A_85 = arith.constant 16 : index
      %get3A_86 = tpu.vector_load %arg13[%get3A_84, %get3A_85] {strides = array<i32>} : memref<512x64xf32, #tpu.memory_space<vmem>>, vector<16xf32>,
      %get3A_87 = arith.index_cast %add3A_76 : i32 to index
      %get3A_88 = arith.constant 16 : index
      %get3A_89 = tpu.vector_load %arg14[%get3A_87, %get3A_88] {strides = array<i32>} : memref<512x64xf32, #tpu.memory_space<vmem>>, vector<16xf32>,
      %mul3A_90 = arith.mulf %get3A_86, %get3A_89 : vector<16xf32>
      %add3A_91 = arith.addf %mul3A_83, %mul3A_90 : vector<16xf32>
      %get3A_92 = arith.index_cast %add3A_76 : i32 to index
      %get3A_93 = arith.constant 32 : index
      %get3A_94 = tpu.vector_load %arg13[%get3A_92, %get3A_93] {strides = array<i32>} : memref<512x64xf32, #tpu.memory_space<vmem>>, vector<16xf32>,
      %get3A_95 = arith.index_cast %add3A_76 : i32 to index
      %get3A_96 = arith.constant 32 : index
      %get3A_97 = tpu.vector_load %arg14[%get3A_95, %get3A_96] {strides = array<i32>} : memref<512x64xf32, #tpu.memory_space<vmem>>, vector<16xf32>,
      %mul3A_98 = arith.mulf %get3A_94, %get3A_97 : vector<16xf32>
      %add3A_99 = arith.addf %add3A_91, %mul3A_98 : vector<16xf32>
      %get3A_100 = arith.index_cast %add3A_76 : i32 to index
      %get3A_101 = arith.constant 48 : index
      %get3A_102 = tpu.vector_load %arg13[%get3A_100, %get3A_101] {strides = array<i32>} : memref<512x64xf32, #tpu.memory_space<vmem>>, vector<16xf32>,
      %get3A_103 = arith.index_cast %add3A_76 : i32 to index
      %get3A_104 = arith.constant 48 : index
      %get3A_105 = tpu.vector_load %arg14[%get3A_103, %get3A_104] {strides = array<i32>} : memref<512x64xf32, #tpu.memory_space<vmem>>, vector<16xf32>,
      %mul3A_106 = arith.mulf %get3A_102, %get3A_105 : vector<16xf32>
      %add3A_107 = arith.addf %add3A_99, %mul3A_106 : vector<16xf32>
      %swap3A_108 = arith.constant 16 : index
      %swap3A_109 = tpu.vector_load %arg18[%swap3A_108] {strides = array<i32>} : memref<256xf32, #tpu.memory_space<vmem>>, vector<16xf32>,
      tpu.vector_store %arg18[%swap3A_108], %add3A_107 {strides = array<i32>} : memref<256xf32, #tpu.memory_space<vmem>>, vector<16xf32>,
      %mul3A_110 = arith.constant 16 : i32
      %mul3A_111 = arith.muli %scan3A_37, %mul3A_110 : i32
      %add3A_112 = arith.constant 2 : i32
      %add3A_113 = arith.addi %mul3A_111, %add3A_112 : i32
      %get3A_114 = arith.index_cast %add3A_113 : i32 to index
      %get3A_115 = arith.constant 0 : index
      %get3A_116 = tpu.vector_load %arg13[%get3A_114, %get3A_115] {strides = array<i32>} : memref<512x64xf32, #tpu.memory_space<vmem>>, vector<16xf32>,
      %get3A_117 = arith.index_cast %add3A_113 : i32 to index
      %get3A_118 = arith.constant 0 : index
      %get3A_119 = tpu.vector_load %arg14[%get3A_117, %get3A_118] {strides = array<i32>} : memref<512x64xf32, #tpu.memory_space<vmem>>, vector<16xf32>,
      %mul3A_120 = arith.mulf %get3A_116, %get3A_119 : vector<16xf32>
      %get3A_121 = arith.index_cast %add3A_113 : i32 to index
      %get3A_122 = arith.constant 16 : index
      %get3A_123 = tpu.vector_load %arg13[%get3A_121, %get3A_122] {strides = array<i32>} : memref<512x64xf32, #tpu.memory_space<vmem>>, vector<16xf32>,
      %get3A_124 = arith.index_cast %add3A_113 : i32 to index
      %get3A_125 = arith.constant 16 : index
      %get3A_126 = tpu.vector_load %arg14[%get3A_124, %get3A_125] {strides = array<i32>} : memref<512x64xf32, #tpu.memory_space<vmem>>, vector<16xf32>,
      %mul3A_127 = arith.mulf %get3A_123, %get3A_126 : vector<16xf32>
      %add3A_128 = arith.addf %mul3A_120, %mul3A_127 : vector<16xf32>
      %get3A_129 = arith.index_cast %add3A_113 : i32 to index
      %get3A_130 = arith.constant 32 : index
      %get3A_131 = tpu.vector_load %arg13[%get3A_129, %get3A_130] {strides = array<i32>} : memref<512x64xf32, #tpu.memory_space<vmem>>, vector<16xf32>,
      %get3A_132 = arith.index_cast %add3A_113 : i32 to index
      %get3A_133 = arith.constant 32 : index
      %get3A_134 = tpu.vector_load %arg14[%get3A_132, %get3A_133] {strides = array<i32>} : memref<512x64xf32, #tpu.memory_space<vmem>>, vector<16xf32>,
      %mul3A_135 = arith.mulf %get3A_131, %get3A_134 : vector<16xf32>
      %add3A_136 = arith.addf %add3A_128, %mul3A_135 : vector<16xf32>
      %get3A_137 = arith.index_cast %add3A_113 : i32 to index
      %get3A_138 = arith.constant 48 : index
      %get3A_139 = tpu.vector_load %arg13[%get3A_137, %get3A_138] {strides = array<i32>} : memref<512x64xf32, #tpu.memory_space<vmem>>, vector<16xf32>,
      %get3A_140 = arith.index_cast %add3A_113 : i32 to index
      %get3A_141 = arith.constant 48 : index
      %get3A_142 = tpu.vector_load %arg14[%get3A_140, %get3A_141] {strides = array<i32>} : memref<512x64xf32, #tpu.memory_space<vmem>>, vector<16xf32>,
      %mul3A_143 = arith.mulf %get3A_139, %get3A_142 : vector<16xf32>
      %add3A_144 = arith.addf %add3A_136, %mul3A_143 : vector<16xf32>
      %swap3A_145 = arith.constant 32 : index
      %swap3A_146 = tpu.vector_load %arg18[%swap3A_145] {strides = array<i32>} : memref<256xf32, #tpu.memory_space<vmem>>, vector<16xf32>,
      tpu.vector_store %arg18[%swap3A_145], %add3A_144 {strides = array<i32>} : memref<256xf32, #tpu.memory_space<vmem>>, vector<16xf32>,
      %mul3A_147 = arith.constant 16 : i32
      %mul3A_148 = arith.muli %scan3A_37, %mul3A_147 : i32
      %add3A_149 = arith.constant 3 : i32
      %add3A_150 = arith.addi %mul3A_148, %add3A_149 : i32
      %get3A_151 = arith.index_cast %add3A_150 : i32 to index
      %get3A_152 = arith.constant 0 : index
      %get3A_153 = tpu.vector_load %arg13[%get3A_151, %get3A_152] {strides = array<i32>} : memref<512x64xf32, #tpu.memory_space<vmem>>, vector<16xf32>,
      %get3A_154 = arith.index_cast %add3A_150 : i32 to index
      %get3A_155 = arith.constant 0 : index
      %get3A_156 = tpu.vector_load %arg14[%get3A_154, %get3A_155] {strides = array<i32>} : memref<512x64xf32, #tpu.memory_space<vmem>>, vector<16xf32>,
      %mul3A_157 = arith.mulf %get3A_153, %get3A_156 : vector<16xf32>
      %get3A_158 = arith.index_cast %add3A_150 : i32 to index
      %get3A_159 = arith.constant 16 : index
      %get3A_160 = tpu.vector_load %arg13[%get3A_158, %get3A_159] {strides = array<i32>} : memref<512x64xf32, #tpu.memory_space<vmem>>, vector<16xf32>,
      %get3A_161 = arith.index_cast %add3A_150 : i32 to index
      %get3A_162 = arith.constant 16 : index
      %get3A_163 = tpu.vector_load %arg14[%get3A_161, %get3A_162] {strides = array<i32>} : memref<512x64xf32, #tpu.memory_space<vmem>>, vector<16xf32>,
      %mul3A_164 = arith.mulf %get3A_160, %get3A_163 : vector<16xf32>
      %add3A_165 = arith.addf %mul3A_157, %mul3A_164 : vector<16xf32>
      %get3A_166 = arith.index_cast %add3A_150 : i32 to index
      %get3A_167 = arith.constant 32 : index
      %get3A_168 = tpu.vector_load %arg13[%get3A_166, %get3A_167] {strides = array<i32>} : memref<512x64xf32, #tpu.memory_space<vmem>>, vector<16xf32>,
      %get3A_169 = arith.index_cast %add3A_150 : i32 to index
      %get3A_170 = arith.constant 32 : index
      %get3A_171 = tpu.vector_load %arg14[%get3A_169, %get3A_170] {strides = array<i32>} : memref<512x64xf32, #tpu.memory_space<vmem>>, vector<16xf32>,
      %mul3A_172 = arith.mulf %get3A_168, %get3A_171 : vector<16xf32>
      %add3A_173 = arith.addf %add3A_165, %mul3A_172 : vector<16xf32>
      %get3A_174 = arith.index_cast %add3A_150 : i32 to index
      %get3A_175 = arith.constant 48 : index
      %get3A_176 = tpu.vector_load %arg13[%get3A_174, %get3A_175] {strides = array<i32>} : memref<512x64xf32, #tpu.memory_space<vmem>>, vector<16xf32>,
      %get3A_177 = arith.index_cast %add3A_150 : i32 to index
      %get3A_178 = arith.constant 48 : index
      %get3A_179 = tpu.vector_load %arg14[%get3A_177, %get3A_178] {strides = array<i32>} : memref<512x64xf32, #tpu.memory_space<vmem>>, vector<16xf32>,
      %mul3A_180 = arith.mulf %get3A_176, %get3A_179 : vector<16xf32>
      %add3A_181 = arith.addf %add3A_173, %mul3A_180 : vector<16xf32>
      %swap3A_182 = arith.constant 48 : index
      %swap3A_183 = tpu.vector_load %arg18[%swap3A_182] {strides = array<i32>} : memref<256xf32, #tpu.memory_space<vmem>>, vector<16xf32>,
      tpu.vector_store %arg18[%swap3A_182], %add3A_181 {strides = array<i32>} : memref<256xf32, #tpu.memory_space<vmem>>, vector<16xf32>,
      %mul3A_184 = arith.constant 16 : i32
      %mul3A_185 = arith.muli %scan3A_37, %mul3A_184 : i32
      %add3A_186 = arith.constant 4 : i32
      %add3A_187 = arith.addi %mul3A_185, %add3A_186 : i32
      %get3A_188 = arith.index_cast %add3A_187 : i32 to index
      %get3A_189 = arith.constant 0 : index
      %get3A_190 = tpu.vector_load %arg13[%get3A_188, %get3A_189] {strides = array<i32>} : memref<512x64xf32, #tpu.memory_space<vmem>>, vector<16xf32>,
      %get3A_191 = arith.index_cast %add3A_187 : i32 to index
      %get3A_192 = arith.constant 0 : index
      %get3A_193 = tpu.vector_load %arg14[%get3A_191, %get3A_192] {strides = array<i32>} : memref<512x64xf32, #tpu.memory_space<vmem>>, vector<16xf32>,
      %mul3A_194 = arith.mulf %get3A_190, %get3A_193 : vector<16xf32>
      %get3A_195 = arith.index_cast %add3A_187 : i32 to index
      %get3A_196 = arith.constant 16 : index
      %get3A_197 = tpu.vector_load %arg13[%get3A_195, %get3A_196] {strides = array<i32>} : memref<512x64xf32, #tpu.memory_space<vmem>>, vector<16xf32>,
      %get3A_198 = arith.index_cast %add3A_187 : i32 to index
      %get3A_199 = arith.constant 16 : index
      %get3A_200 = tpu.vector_load %arg14[%get3A_198, %get3A_199] {strides = array<i32>} : memref<512x64xf32, #tpu.memory_space<vmem>>, vector<16xf32>,
      %mul3A_201 = arith.mulf %get3A_197, %get3A_200 : vector<16xf32>
      %add3A_202 = arith.addf %mul3A_194, %mul3A_201 : vector<16xf32>
      %get3A_203 = arith.index_cast %add3A_187 : i32 to index
      %get3A_204 = arith.constant 32 : index
      %get3A_205 = tpu.vector_load %arg13[%get3A_203, %get3A_204] {strides = array<i32>} : memref<512x64xf32, #tpu.memory_space<vmem>>, vector<16xf32>,
      %get3A_206 = arith.index_cast %add3A_187 : i32 to index
      %get3A_207 = arith.constant 32 : index
      %get3A_208 = tpu.vector_load %arg14[%get3A_206, %get3A_207] {strides = array<i32>} : memref<512x64xf32, #tpu.memory_space<vmem>>, vector<16xf32>,
      %mul3A_209 = arith.mulf %get3A_205, %get3A_208 : vector<16xf32>
      %add3A_210 = arith.addf %add3A_202, %mul3A_209 : vector<16xf32>
      %get3A_211 = arith.index_cast %add3A_187 : i32 to index
      %get3A_212 = arith.constant 48 : index
      %get3A_213 = tpu.vector_load %arg13[%get3A_211, %get3A_212] {strides = array<i32>} : memref<512x64xf32, #tpu.memory_space<vmem>>, vector<16xf32>,
      %get3A_214 = arith.index_cast %add3A_187 : i32 to index
      %get3A_215 = arith.constant 48 : index
      %get3A_216 = tpu.vector_load %arg14[%get3A_214, %get3A_215] {strides = array<i32>} : memref<512x64xf32, #tpu.memory_space<vmem>>, vector<16xf32>,
      %mul3A_217 = arith.mulf %get3A_213, %get3A_216 : vector<16xf32>
      %add3A_218 = arith.addf %add3A_210, %mul3A_217 : vector<16xf32>
      %swap3A_219 = arith.constant 64 : index
      %swap3A_220 = tpu.vector_load %arg18[%swap3A_219] {strides = array<i32>} : memref<256xf32, #tpu.memory_space<vmem>>, vector<16xf32>,
      tpu.vector_store %arg18[%swap3A_219], %add3A_218 {strides = array<i32>} : memref<256xf32, #tpu.memory_space<vmem>>, vector<16xf32>,
      %mul3A_221 = arith.constant 16 : i32
      %mul3A_222 = arith.muli %scan3A_37, %mul3A_221 : i32
      %add3A_223 = arith.constant 5 : i32
      %add3A_224 = arith.addi %mul3A_222, %add3A_223 : i32
      %get3A_225 = arith.index_cast %add3A_224 : i32 to index
      %get3A_226 = arith.constant 0 : index
      %get3A_227 = tpu.vector_load %arg13[%get3A_225, %get3A_226] {strides = array<i32>} : memref<512x64xf32, #tpu.memory_space<vmem>>, vector<16xf32>,
      %get3A_228 = arith.index_cast %add3A_224 : i32 to index
      %get3A_229 = arith.constant 0 : index
      %get3A_230 = tpu.vector_load %arg14[%get3A_228, %get3A_229] {strides = array<i32>} : memref<512x64xf32, #tpu.memory_space<vmem>>, vector<16xf32>,
      %mul3A_231 = arith.mulf %get3A_227, %get3A_230 : vector<16xf32>
      %get3A_232 = arith.index_cast %add3A_224 : i32 to index
      %get3A_233 = arith.constant 16 : index
      %get3A_234 = tpu.vector_load %arg13[%get3A_232, %get3A_233] {strides = array<i32>} : memref<512x64xf32, #tpu.memory_space<vmem>>, vector<16xf32>,
      %get3A_235 = arith.index_cast %add3A_224 : i32 to index
      %get3A_236 = arith.constant 16 : index
      %get3A_237 = tpu.vector_load %arg14[%get3A_235, %get3A_236] {strides = array<i32>} : memref<512x64xf32, #tpu.memory_space<vmem>>, vector<16xf32>,
      %mul3A_238 = arith.mulf %get3A_234, %get3A_237 : vector<16xf32>
      %add3A_239 = arith.addf %mul3A_231, %mul3A_238 : vector<16xf32>
      %get3A_240 = arith.index_cast %add3A_224 : i32 to index
      %get3A_241 = arith.constant 32 : index
      %get3A_242 = tpu.vector_load %arg13[%get3A_240, %get3A_241] {strides = array<i32>} : memref<512x64xf32, #tpu.memory_space<vmem>>, vector<16xf32>,
      %get3A_243 = arith.index_cast %add3A_224 : i32 to index
      %get3A_244 = arith.constant 32 : index
      %get3A_245 = tpu.vector_load %arg14[%get3A_243, %get3A_244] {strides = array<i32>} : memref<512x64xf32, #tpu.memory_space<vmem>>, vector<16xf32>,
      %mul3A_246 = arith.mulf %get3A_242, %get3A_245 : vector<16xf32>
      %add3A_247 = arith.addf %add3A_239, %mul3A_246 : vector<16xf32>
      %get3A_248 = arith.index_cast %add3A_224 : i32 to index
      %get3A_249 = arith.constant 48 : index
      %get3A_250 = tpu.vector_load %arg13[%get3A_248, %get3A_249] {strides = array<i32>} : memref<512x64xf32, #tpu.memory_space<vmem>>, vector<16xf32>,
      %get3A_251 = arith.index_cast %add3A_224 : i32 to index
      %get3A_252 = arith.constant 48 : index
      %get3A_253 = tpu.vector_load %arg14[%get3A_251, %get3A_252] {strides = array<i32>} : memref<512x64xf32, #tpu.memory_space<vmem>>, vector<16xf32>,
      %mul3A_254 = arith.mulf %get3A_250, %get3A_253 : vector<16xf32>
      %add3A_255 = arith.addf %add3A_247, %mul3A_254 : vector<16xf32>
      %swap3A_256 = arith.constant 80 : index
      %swap3A_257 = tpu.vector_load %arg18[%swap3A_256] {strides = array<i32>} : memref<256xf32, #tpu.memory_space<vmem>>, vector<16xf32>,
      tpu.vector_store %arg18[%swap3A_256], %add3A_255 {strides = array<i32>} : memref<256xf32, #tpu.memory_space<vmem>>, vector<16xf32>,
      %mul3A_258 = arith.constant 16 : i32
      %mul3A_259 = arith.muli %scan3A_37, %mul3A_258 : i32
      %add3A_260 = arith.constant 6 : i32
      %add3A_261 = arith.addi %mul3A_259, %add3A_260 : i32
      %get3A_262 = arith.index_cast %add3A_261 : i32 to index
      %get3A_263 = arith.constant 0 : index
      %get3A_264 = tpu.vector_load %arg13[%get3A_262, %get3A_263] {strides = array<i32>} : memref<512x64xf32, #tpu.memory_space<vmem>>, vector<16xf32>,
      %get3A_265 = arith.index_cast %add3A_261 : i32 to index
      %get3A_266 = arith.constant 0 : index
      %get3A_267 = tpu.vector_load %arg14[%get3A_265, %get3A_266] {strides = array<i32>} : memref<512x64xf32, #tpu.memory_space<vmem>>, vector<16xf32>,
      %mul3A_268 = arith.mulf %get3A_264, %get3A_267 : vector<16xf32>
      %get3A_269 = arith.index_cast %add3A_261 : i32 to index
      %get3A_270 = arith.constant 16 : index
      %get3A_271 = tpu.vector_load %arg13[%get3A_269, %get3A_270] {strides = array<i32>} : memref<512x64xf32, #tpu.memory_space<vmem>>, vector<16xf32>,
      %get3A_272 = arith.index_cast %add3A_261 : i32 to index
      %get3A_273 = arith.constant 16 : index
      %get3A_274 = tpu.vector_load %arg14[%get3A_272, %get3A_273] {strides = array<i32>} : memref<512x64xf32, #tpu.memory_space<vmem>>, vector<16xf32>,
      %mul3A_275 = arith.mulf %get3A_271, %get3A_274 : vector<16xf32>
      %add3A_276 = arith.addf %mul3A_268, %mul3A_275 : vector<16xf32>
      %get3A_277 = arith.index_cast %add3A_261 : i32 to index
      %get3A_278 = arith.constant 32 : index
      %get3A_279 = tpu.vector_load %arg13[%get3A_277, %get3A_278] {strides = array<i32>} : memref<512x64xf32, #tpu.memory_space<vmem>>, vector<16xf32>,
      %get3A_280 = arith.index_cast %add3A_261 : i32 to index
      %get3A_281 = arith.constant 32 : index
      %get3A_282 = tpu.vector_load %arg14[%get3A_280, %get3A_281] {strides = array<i32>} : memref<512x64xf32, #tpu.memory_space<vmem>>, vector<16xf32>,
      %mul3A_283 = arith.mulf %get3A_279, %get3A_282 : vector<16xf32>
      %add3A_284 = arith.addf %add3A_276, %mul3A_283 : vector<16xf32>
      %get3A_285 = arith.index_cast %add3A_261 : i32 to index
      %get3A_286 = arith.constant 48 : index
      %get3A_287 = tpu.vector_load %arg13[%get3A_285, %get3A_286] {strides = array<i32>} : memref<512x64xf32, #tpu.memory_space<vmem>>, vector<16xf32>,
      %get3A_288 = arith.index_cast %add3A_261 : i32 to index
      %get3A_289 = arith.constant 48 : index
      %get3A_290 = tpu.vector_load %arg14[%get3A_288, %get3A_289] {strides = array<i32>} : memref<512x64xf32, #tpu.memory_space<vmem>>, vector<16xf32>,
      %mul3A_291 = arith.mulf %get3A_287, %get3A_290 : vector<16xf32>
      %add3A_292 = arith.addf %add3A_284, %mul3A_291 : vector<16xf32>
      %swap3A_293 = arith.constant 96 : index
      %swap3A_294 = tpu.vector_load %arg18[%swap3A_293] {strides = array<i32>} : memref<256xf32, #tpu.memory_space<vmem>>, vector<16xf32>,
      tpu.vector_store %arg18[%swap3A_293], %add3A_292 {strides = array<i32>} : memref<256xf32, #tpu.memory_space<vmem>>, vector<16xf32>,
      %mul3A_295 = arith.constant 16 : i32
      %mul3A_296 = arith.muli %scan3A_37, %mul3A_295 : i32
      %add3A_297 = arith.constant 7 : i32
      %add3A_298 = arith.addi %mul3A_296, %add3A_297 : i32
      %get3A_299 = arith.index_cast %add3A_298 : i32 to index
      %get3A_300 = arith.constant 0 : index
      %get3A_301 = tpu.vector_load %arg13[%get3A_299, %get3A_300] {strides = array<i32>} : memref<512x64xf32, #tpu.memory_space<vmem>>, vector<16xf32>,
      %get3A_302 = arith.index_cast %add3A_298 : i32 to index
      %get3A_303 = arith.constant 0 : index
      %get3A_304 = tpu.vector_load %arg14[%get3A_302, %get3A_303] {strides = array<i32>} : memref<512x64xf32, #tpu.memory_space<vmem>>, vector<16xf32>,
      %mul3A_305 = arith.mulf %get3A_301, %get3A_304 : vector<16xf32>
      %get3A_306 = arith.index_cast %add3A_298 : i32 to index
      %get3A_307 = arith.constant 16 : index
      %get3A_308 = tpu.vector_load %arg13[%get3A_306, %get3A_307] {strides = array<i32>} : memref<512x64xf32, #tpu.memory_space<vmem>>, vector<16xf32>,
      %get3A_309 = arith.index_cast %add3A_298 : i32 to index
      %get3A_310 = arith.constant 16 : index
      %get3A_311 = tpu.vector_load %arg14[%get3A_309, %get3A_310] {strides = array<i32>} : memref<512x64xf32, #tpu.memory_space<vmem>>, vector<16xf32>,
      %mul3A_312 = arith.mulf %get3A_308, %get3A_311 : vector<16xf32>
      %add3A_313 = arith.addf %mul3A_305, %mul3A_312 : vector<16xf32>
      %get3A_314 = arith.index_cast %add3A_298 : i32 to index
      %get3A_315 = arith.constant 32 : index
      %get3A_316 = tpu.vector_load %arg13[%get3A_314, %get3A_315] {strides = array<i32>} : memref<512x64xf32, #tpu.memory_space<vmem>>, vector<16xf32>,
      %get3A_317 = arith.index_cast %add3A_298 : i32 to index
      %get3A_318 = arith.constant 32 : index
      %get3A_319 = tpu.vector_load %arg14[%get3A_317, %get3A_318] {strides = array<i32>} : memref<512x64xf32, #tpu.memory_space<vmem>>, vector<16xf32>,
      %mul3A_320 = arith.mulf %get3A_316, %get3A_319 : vector<16xf32>
      %add3A_321 = arith.addf %add3A_313, %mul3A_320 : vector<16xf32>
      %get3A_322 = arith.index_cast %add3A_298 : i32 to index
      %get3A_323 = arith.constant 48 : index
      %get3A_324 = tpu.vector_load %arg13[%get3A_322, %get3A_323] {strides = array<i32>} : memref<512x64xf32, #tpu.memory_space<vmem>>, vector<16xf32>,
      %get3A_325 = arith.index_cast %add3A_298 : i32 to index
      %get3A_326 = arith.constant 48 : index
      %get3A_327 = tpu.vector_load %arg14[%get3A_325, %get3A_326] {strides = array<i32>} : memref<512x64xf32, #tpu.memory_space<vmem>>, vector<16xf32>,
      %mul3A_328 = arith.mulf %get3A_324, %get3A_327 : vector<16xf32>
      %add3A_329 = arith.addf %add3A_321, %mul3A_328 : vector<16xf32>
      %swap3A_330 = arith.constant 112 : index
      %swap3A_331 = tpu.vector_load %arg18[%swap3A_330] {strides = array<i32>} : memref<256xf32, #tpu.memory_space<vmem>>, vector<16xf32>,
      tpu.vector_store %arg18[%swap3A_330], %add3A_329 {strides = array<i32>} : memref<256xf32, #tpu.memory_space<vmem>>, vector<16xf32>,
      %mul3A_332 = arith.constant 16 : i32
      %mul3A_333 = arith.muli %scan3A_37, %mul3A_332 : i32
      %add3A_334 = arith.constant 8 : i32
      %add3A_335 = arith.addi %mul3A_333, %add3A_334 : i32
      %get3A_336 = arith.index_cast %add3A_335 : i32 to index
      %get3A_337 = arith.constant 0 : index
      %get3A_338 = tpu.vector_load %arg13[%get3A_336, %get3A_337] {strides = array<i32>} : memref<512x64xf32, #tpu.memory_space<vmem>>, vector<16xf32>,
      %get3A_339 = arith.index_cast %add3A_335 : i32 to index
      %get3A_340 = arith.constant 0 : index
      %get3A_341 = tpu.vector_load %arg14[%get3A_339, %get3A_340] {strides = array<i32>} : memref<512x64xf32, #tpu.memory_space<vmem>>, vector<16xf32>,
      %mul3A_342 = arith.mulf %get3A_338, %get3A_341 : vector<16xf32>
      %get3A_343 = arith.index_cast %add3A_335 : i32 to index
      %get3A_344 = arith.constant 16 : index
      %get3A_345 = tpu.vector_load %arg13[%get3A_343, %get3A_344] {strides = array<i32>} : memref<512x64xf32, #tpu.memory_space<vmem>>, vector<16xf32>,
      %get3A_346 = arith.index_cast %add3A_335 : i32 to index
      %get3A_347 = arith.constant 16 : index
      %get3A_348 = tpu.vector_load %arg14[%get3A_346, %get3A_347] {strides = array<i32>} : memref<512x64xf32, #tpu.memory_space<vmem>>, vector<16xf32>,
      %mul3A_349 = arith.mulf %get3A_345, %get3A_348 : vector<16xf32>
      %add3A_350 = arith.addf %mul3A_342, %mul3A_349 : vector<16xf32>
      %get3A_351 = arith.index_cast %add3A_335 : i32 to index
      %get3A_352 = arith.constant 32 : index
      %get3A_353 = tpu.vector_load %arg13[%get3A_351, %get3A_352] {strides = array<i32>} : memref<512x64xf32, #tpu.memory_space<vmem>>, vector<16xf32>,
      %get3A_354 = arith.index_cast %add3A_335 : i32 to index
      %get3A_355 = arith.constant 32 : index
      %get3A_356 = tpu.vector_load %arg14[%get3A_354, %get3A_355] {strides = array<i32>} : memref<512x64xf32, #tpu.memory_space<vmem>>, vector<16xf32>,
      %mul3A_357 = arith.mulf %get3A_353, %get3A_356 : vector<16xf32>
      %add3A_358 = arith.addf %add3A_350, %mul3A_357 : vector<16xf32>
      %get3A_359 = arith.index_cast %add3A_335 : i32 to index
      %get3A_360 = arith.constant 48 : index
      %get3A_361 = tpu.vector_load %arg13[%get3A_359, %get3A_360] {strides = array<i32>} : memref<512x64xf32, #tpu.memory_space<vmem>>, vector<16xf32>,
      %get3A_362 = arith.index_cast %add3A_335 : i32 to index
      %get3A_363 = arith.constant 48 : index
      %get3A_364 = tpu.vector_load %arg14[%get3A_362, %get3A_363] {strides = array<i32>} : memref<512x64xf32, #tpu.memory_space<vmem>>, vector<16xf32>,
      %mul3A_365 = arith.mulf %get3A_361, %get3A_364 : vector<16xf32>
      %add3A_366 = arith.addf %add3A_358, %mul3A_365 : vector<16xf32>
      %swap3A_367 = arith.constant 128 : index
      %swap3A_368 = tpu.vector_load %arg18[%swap3A_367] {strides = array<i32>} : memref<256xf32, #tpu.memory_space<vmem>>, vector<16xf32>,
      tpu.vector_store %arg18[%swap3A_367], %add3A_366 {strides = array<i32>} : memref<256xf32, #tpu.memory_space<vmem>>, vector<16xf32>,
      %mul3A_369 = arith.constant 16 : i32
      %mul3A_370 = arith.muli %scan3A_37, %mul3A_369 : i32
      %add3A_371 = arith.constant 9 : i32
      %add3A_372 = arith.addi %mul3A_370, %add3A_371 : i32
      %get3A_373 = arith.index_cast %add3A_372 : i32 to index
      %get3A_374 = arith.constant 0 : index
      %get3A_375 = tpu.vector_load %arg13[%get3A_373, %get3A_374] {strides = array<i32>} : memref<512x64xf32, #tpu.memory_space<vmem>>, vector<16xf32>,
      %get3A_376 = arith.index_cast %add3A_372 : i32 to index
      %get3A_377 = arith.constant 0 : index
      %get3A_378 = tpu.vector_load %arg14[%get3A_376, %get3A_377] {strides = array<i32>} : memref<512x64xf32, #tpu.memory_space<vmem>>, vector<16xf32>,
      %mul3A_379 = arith.mulf %get3A_375, %get3A_378 : vector<16xf32>
      %get3A_380 = arith.index_cast %add3A_372 : i32 to index
      %get3A_381 = arith.constant 16 : index
      %get3A_382 = tpu.vector_load %arg13[%get3A_380, %get3A_381] {strides = array<i32>} : memref<512x64xf32, #tpu.memory_space<vmem>>, vector<16xf32>,
      %get3A_383 = arith.index_cast %add3A_372 : i32 to index
      %get3A_384 = arith.constant 16 : index
      %get3A_385 = tpu.vector_load %arg14[%get3A_383, %get3A_384] {strides = array<i32>} : memref<512x64xf32, #tpu.memory_space<vmem>>, vector<16xf32>,
      %mul3A_386 = arith.mulf %get3A_382, %get3A_385 : vector<16xf32>
      %add3A_387 = arith.addf %mul3A_379, %mul3A_386 : vector<16xf32>
      %get3A_388 = arith.index_cast %add3A_372 : i32 to index
      %get3A_389 = arith.constant 32 : index
      %get3A_390 = tpu.vector_load %arg13[%get3A_388, %get3A_389] {strides = array<i32>} : memref<512x64xf32, #tpu.memory_space<vmem>>, vector<16xf32>,
      %get3A_391 = arith.index_cast %add3A_372 : i32 to index
      %get3A_392 = arith.constant 32 : index
      %get3A_393 = tpu.vector_load %arg14[%get3A_391, %get3A_392] {strides = array<i32>} : memref<512x64xf32, #tpu.memory_space<vmem>>, vector<16xf32>,
      %mul3A_394 = arith.mulf %get3A_390, %get3A_393 : vector<16xf32>
      %add3A_395 = arith.addf %add3A_387, %mul3A_394 : vector<16xf32>
      %get3A_396 = arith.index_cast %add3A_372 : i32 to index
      %get3A_397 = arith.constant 48 : index
      %get3A_398 = tpu.vector_load %arg13[%get3A_396, %get3A_397] {strides = array<i32>} : memref<512x64xf32, #tpu.memory_space<vmem>>, vector<16xf32>,
      %get3A_399 = arith.index_cast %add3A_372 : i32 to index
      %get3A_400 = arith.constant 48 : index
      %get3A_401 = tpu.vector_load %arg14[%get3A_399, %get3A_400] {strides = array<i32>} : memref<512x64xf32, #tpu.memory_space<vmem>>, vector<16xf32>,
      %mul3A_402 = arith.mulf %get3A_398, %get3A_401 : vector<16xf32>
      %add3A_403 = arith.addf %add3A_395, %mul3A_402 : vector<16xf32>
      %swap3A_404 = arith.constant 144 : index
      %swap3A_405 = tpu.vector_load %arg18[%swap3A_404] {strides = array<i32>} : memref<256xf32, #tpu.memory_space<vmem>>, vector<16xf32>,
      tpu.vector_store %arg18[%swap3A_404], %add3A_403 {strides = array<i32>} : memref<256xf32, #tpu.memory_space<vmem>>, vector<16xf32>,
      %mul3A_406 = arith.constant 16 : i32
      %mul3A_407 = arith.muli %scan3A_37, %mul3A_406 : i32
      %add3A_408 = arith.constant 10 : i32
      %add3A_409 = arith.addi %mul3A_407, %add3A_408 : i32
      %get3A_410 = arith.index_cast %add3A_409 : i32 to index
      %get3A_411 = arith.constant 0 : index
      %get3A_412 = tpu.vector_load %arg13[%get3A_410, %get3A_411] {strides = array<i32>} : memref<512x64xf32, #tpu.memory_space<vmem>>, vector<16xf32>,
      %get3A_413 = arith.index_cast %add3A_409 : i32 to index
      %get3A_414 = arith.constant 0 : index
      %get3A_415 = tpu.vector_load %arg14[%get3A_413, %get3A_414] {strides = array<i32>} : memref<512x64xf32, #tpu.memory_space<vmem>>, vector<16xf32>,
      %mul3A_416 = arith.mulf %get3A_412, %get3A_415 : vector<16xf32>
      %get3A_417 = arith.index_cast %add3A_409 : i32 to index
      %get3A_418 = arith.constant 16 : index
      %get3A_419 = tpu.vector_load %arg13[%get3A_417, %get3A_418] {strides = array<i32>} : memref<512x64xf32, #tpu.memory_space<vmem>>, vector<16xf32>,
      %get3A_420 = arith.index_cast %add3A_409 : i32 to index
      %get3A_421 = arith.constant 16 : index
      %get3A_422 = tpu.vector_load %arg14[%get3A_420, %get3A_421] {strides = array<i32>} : memref<512x64xf32, #tpu.memory_space<vmem>>, vector<16xf32>,
      %mul3A_423 = arith.mulf %get3A_419, %get3A_422 : vector<16xf32>
      %add3A_424 = arith.addf %mul3A_416, %mul3A_423 : vector<16xf32>
      %get3A_425 = arith.index_cast %add3A_409 : i32 to index
      %get3A_426 = arith.constant 32 : index
      %get3A_427 = tpu.vector_load %arg13[%get3A_425, %get3A_426] {strides = array<i32>} : memref<512x64xf32, #tpu.memory_space<vmem>>, vector<16xf32>,
      %get3A_428 = arith.index_cast %add3A_409 : i32 to index
      %get3A_429 = arith.constant 32 : index
      %get3A_430 = tpu.vector_load %arg14[%get3A_428, %get3A_429] {strides = array<i32>} : memref<512x64xf32, #tpu.memory_space<vmem>>, vector<16xf32>,
      %mul3A_431 = arith.mulf %get3A_427, %get3A_430 : vector<16xf32>
      %add3A_432 = arith.addf %add3A_424, %mul3A_431 : vector<16xf32>
      %get3A_433 = arith.index_cast %add3A_409 : i32 to index
      %get3A_434 = arith.constant 48 : index
      %get3A_435 = tpu.vector_load %arg13[%get3A_433, %get3A_434] {strides = array<i32>} : memref<512x64xf32, #tpu.memory_space<vmem>>, vector<16xf32>,
      %get3A_436 = arith.index_cast %add3A_409 : i32 to index
      %get3A_437 = arith.constant 48 : index
      %get3A_438 = tpu.vector_load %arg14[%get3A_436, %get3A_437] {strides = array<i32>} : memref<512x64xf32, #tpu.memory_space<vmem>>, vector<16xf32>,
      %mul3A_439 = arith.mulf %get3A_435, %get3A_438 : vector<16xf32>
      %add3A_440 = arith.addf %add3A_432, %mul3A_439 : vector<16xf32>
      %swap3A_441 = arith.constant 160 : index
      %swap3A_442 = tpu.vector_load %arg18[%swap3A_441] {strides = array<i32>} : memref<256xf32, #tpu.memory_space<vmem>>, vector<16xf32>,
      tpu.vector_store %arg18[%swap3A_441], %add3A_440 {strides = array<i32>} : memref<256xf32, #tpu.memory_space<vmem>>, vector<16xf32>,
      %mul3A_443 = arith.constant 16 : i32
      %mul3A_444 = arith.muli %scan3A_37, %mul3A_443 : i32
      %add3A_445 = arith.constant 11 : i32
      %add3A_446 = arith.addi %mul3A_444, %add3A_445 : i32
      %get3A_447 = arith.index_cast %add3A_446 : i32 to index
      %get3A_448 = arith.constant 0 : index
      %get3A_449 = tpu.vector_load %arg13[%get3A_447, %get3A_448] {strides = array<i32>} : memref<512x64xf32, #tpu.memory_space<vmem>>, vector<16xf32>,
      %get3A_450 = arith.index_cast %add3A_446 : i32 to index
      %get3A_451 = arith.constant 0 : index
      %get3A_452 = tpu.vector_load %arg14[%get3A_450, %get3A_451] {strides = array<i32>} : memref<512x64xf32, #tpu.memory_space<vmem>>, vector<16xf32>,
      %mul3A_453 = arith.mulf %get3A_449, %get3A_452 : vector<16xf32>
      %get3A_454 = arith.index_cast %add3A_446 : i32 to index
      %get3A_455 = arith.constant 16 : index
      %get3A_456 = tpu.vector_load %arg13[%get3A_454, %get3A_455] {strides = array<i32>} : memref<512x64xf32, #tpu.memory_space<vmem>>, vector<16xf32>,
      %get3A_457 = arith.index_cast %add3A_446 : i32 to index
      %get3A_458 = arith.constant 16 : index
      %get3A_459 = tpu.vector_load %arg14[%get3A_457, %get3A_458] {strides = array<i32>} : memref<512x64xf32, #tpu.memory_space<vmem>>, vector<16xf32>,
      %mul3A_460 = arith.mulf %get3A_456, %get3A_459 : vector<16xf32>
      %add3A_461 = arith.addf %mul3A_453, %mul3A_460 : vector<16xf32>
      %get3A_462 = arith.index_cast %add3A_446 : i32 to index
      %get3A_463 = arith.constant 32 : index
      %get3A_464 = tpu.vector_load %arg13[%get3A_462, %get3A_463] {strides = array<i32>} : memref<512x64xf32, #tpu.memory_space<vmem>>, vector<16xf32>,
      %get3A_465 = arith.index_cast %add3A_446 : i32 to index
      %get3A_466 = arith.constant 32 : index
      %get3A_467 = tpu.vector_load %arg14[%get3A_465, %get3A_466] {strides = array<i32>} : memref<512x64xf32, #tpu.memory_space<vmem>>, vector<16xf32>,
      %mul3A_468 = arith.mulf %get3A_464, %get3A_467 : vector<16xf32>
      %add3A_469 = arith.addf %add3A_461, %mul3A_468 : vector<16xf32>
      %get3A_470 = arith.index_cast %add3A_446 : i32 to index
      %get3A_471 = arith.constant 48 : index
      %get3A_472 = tpu.vector_load %arg13[%get3A_470, %get3A_471] {strides = array<i32>} : memref<512x64xf32, #tpu.memory_space<vmem>>, vector<16xf32>,
      %get3A_473 = arith.index_cast %add3A_446 : i32 to index
      %get3A_474 = arith.constant 48 : index
      %get3A_475 = tpu.vector_load %arg14[%get3A_473, %get3A_474] {strides = array<i32>} : memref<512x64xf32, #tpu.memory_space<vmem>>, vector<16xf32>,
      %mul3A_476 = arith.mulf %get3A_472, %get3A_475 : vector<16xf32>
      %add3A_477 = arith.addf %add3A_469, %mul3A_476 : vector<16xf32>
      %swap3A_478 = arith.constant 176 : index
      %swap3A_479 = tpu.vector_load %arg18[%swap3A_478] {strides = array<i32>} : memref<256xf32, #tpu.memory_space<vmem>>, vector<16xf32>,
      tpu.vector_store %arg18[%swap3A_478], %add3A_477 {strides = array<i32>} : memref<256xf32, #tpu.memory_space<vmem>>, vector<16xf32>,
      %mul3A_480 = arith.constant 16 : i32
      %mul3A_481 = arith.muli %scan3A_37, %mul3A_480 : i32
      %add3A_482 = arith.constant 12 : i32
      %add3A_483 = arith.addi %mul3A_481, %add3A_482 : i32
      %get3A_484 = arith.index_cast %add3A_483 : i32 to index
      %get3A_485 = arith.constant 0 : index
      %get3A_486 = tpu.vector_load %arg13[%get3A_484, %get3A_485] {strides = array<i32>} : memref<512x64xf32, #tpu.memory_space<vmem>>, vector<16xf32>,
      %get3A_487 = arith.index_cast %add3A_483 : i32 to index
      %get3A_488 = arith.constant 0 : index
      %get3A_489 = tpu.vector_load %arg14[%get3A_487, %get3A_488] {strides = array<i32>} : memref<512x64xf32, #tpu.memory_space<vmem>>, vector<16xf32>,
      %mul3A_490 = arith.mulf %get3A_486, %get3A_489 : vector<16xf32>
      %get3A_491 = arith.index_cast %add3A_483 : i32 to index
      %get3A_492 = arith.constant 16 : index
      %get3A_493 = tpu.vector_load %arg13[%get3A_491, %get3A_492] {strides = array<i32>} : memref<512x64xf32, #tpu.memory_space<vmem>>, vector<16xf32>,
      %get3A_494 = arith.index_cast %add3A_483 : i32 to index
      %get3A_495 = arith.constant 16 : index
      %get3A_496 = tpu.vector_load %arg14[%get3A_494, %get3A_495] {strides = array<i32>} : memref<512x64xf32, #tpu.memory_space<vmem>>, vector<16xf32>,
      %mul3A_497 = arith.mulf %get3A_493, %get3A_496 : vector<16xf32>
      %add3A_498 = arith.addf %mul3A_490, %mul3A_497 : vector<16xf32>
      %get3A_499 = arith.index_cast %add3A_483 : i32 to index
      %get3A_500 = arith.constant 32 : index
      %get3A_501 = tpu.vector_load %arg13[%get3A_499, %get3A_500] {strides = array<i32>} : memref<512x64xf32, #tpu.memory_space<vmem>>, vector<16xf32>,
      %get3A_502 = arith.index_cast %add3A_483 : i32 to index
      %get3A_503 = arith.constant 32 : index
      %get3A_504 = tpu.vector_load %arg14[%get3A_502, %get3A_503] {strides = array<i32>} : memref<512x64xf32, #tpu.memory_space<vmem>>, vector<16xf32>,
      %mul3A_505 = arith.mulf %get3A_501, %get3A_504 : vector<16xf32>
      %add3A_506 = arith.addf %add3A_498, %mul3A_505 : vector<16xf32>
      %get3A_507 = arith.index_cast %add3A_483 : i32 to index
      %get3A_508 = arith.constant 48 : index
      %get3A_509 = tpu.vector_load %arg13[%get3A_507, %get3A_508] {strides = array<i32>} : memref<512x64xf32, #tpu.memory_space<vmem>>, vector<16xf32>,
      %get3A_510 = arith.index_cast %add3A_483 : i32 to index
      %get3A_511 = arith.constant 48 : index
      %get3A_512 = tpu.vector_load %arg14[%get3A_510, %get3A_511] {strides = array<i32>} : memref<512x64xf32, #tpu.memory_space<vmem>>, vector<16xf32>,
      %mul3A_513 = arith.mulf %get3A_509, %get3A_512 : vector<16xf32>
      %add3A_514 = arith.addf %add3A_506, %mul3A_513 : vector<16xf32>
      %swap3A_515 = arith.constant 192 : index
      %swap3A_516 = tpu.vector_load %arg18[%swap3A_515] {strides = array<i32>} : memref<256xf32, #tpu.memory_space<vmem>>, vector<16xf32>,
      tpu.vector_store %arg18[%swap3A_515], %add3A_514 {strides = array<i32>} : memref<256xf32, #tpu.memory_space<vmem>>, vector<16xf32>,
      %mul3A_517 = arith.constant 16 : i32
      %mul3A_518 = arith.muli %scan3A_37, %mul3A_517 : i32
      %add3A_519 = arith.constant 13 : i32
      %add3A_520 = arith.addi %mul3A_518, %add3A_519 : i32
      %get3A_521 = arith.index_cast %add3A_520 : i32 to index
      %get3A_522 = arith.constant 0 : index
      %get3A_523 = tpu.vector_load %arg13[%get3A_521, %get3A_522] {strides = array<i32>} : memref<512x64xf32, #tpu.memory_space<vmem>>, vector<16xf32>,
      %get3A_524 = arith.index_cast %add3A_520 : i32 to index
      %get3A_525 = arith.constant 0 : index
      %get3A_526 = tpu.vector_load %arg14[%get3A_524, %get3A_525] {strides = array<i32>} : memref<512x64xf32, #tpu.memory_space<vmem>>, vector<16xf32>,
      %mul3A_527 = arith.mulf %get3A_523, %get3A_526 : vector<16xf32>
      %get3A_528 = arith.index_cast %add3A_520 : i32 to index
      %get3A_529 = arith.constant 16 : index
      %get3A_530 = tpu.vector_load %arg13[%get3A_528, %get3A_529] {strides = array<i32>} : memref<512x64xf32, #tpu.memory_space<vmem>>, vector<16xf32>,
      %get3A_531 = arith.index_cast %add3A_520 : i32 to index
      %get3A_532 = arith.constant 16 : index
      %get3A_533 = tpu.vector_load %arg14[%get3A_531, %get3A_532] {strides = array<i32>} : memref<512x64xf32, #tpu.memory_space<vmem>>, vector<16xf32>,
      %mul3A_534 = arith.mulf %get3A_530, %get3A_533 : vector<16xf32>
      %add3A_535 = arith.addf %mul3A_527, %mul3A_534 : vector<16xf32>
      %get3A_536 = arith.index_cast %add3A_520 : i32 to index
      %get3A_537 = arith.constant 32 : index
      %get3A_538 = tpu.vector_load %arg13[%get3A_536, %get3A_537] {strides = array<i32>} : memref<512x64xf32, #tpu.memory_space<vmem>>, vector<16xf32>,
      %get3A_539 = arith.index_cast %add3A_520 : i32 to index
      %get3A_540 = arith.constant 32 : index
      %get3A_541 = tpu.vector_load %arg14[%get3A_539, %get3A_540] {strides = array<i32>} : memref<512x64xf32, #tpu.memory_space<vmem>>, vector<16xf32>,
      %mul3A_542 = arith.mulf %get3A_538, %get3A_541 : vector<16xf32>
      %add3A_543 = arith.addf %add3A_535, %mul3A_542 : vector<16xf32>
      %get3A_544 = arith.index_cast %add3A_520 : i32 to index
      %get3A_545 = arith.constant 48 : index
      %get3A_546 = tpu.vector_load %arg13[%get3A_544, %get3A_545] {strides = array<i32>} : memref<512x64xf32, #tpu.memory_space<vmem>>, vector<16xf32>,
      %get3A_547 = arith.index_cast %add3A_520 : i32 to index
      %get3A_548 = arith.constant 48 : index
      %get3A_549 = tpu.vector_load %arg14[%get3A_547, %get3A_548] {strides = array<i32>} : memref<512x64xf32, #tpu.memory_space<vmem>>, vector<16xf32>,
      %mul3A_550 = arith.mulf %get3A_546, %get3A_549 : vector<16xf32>
      %add3A_551 = arith.addf %add3A_543, %mul3A_550 : vector<16xf32>
      %swap3A_552 = arith.constant 208 : index
      %swap3A_553 = tpu.vector_load %arg18[%swap3A_552] {strides = array<i32>} : memref<256xf32, #tpu.memory_space<vmem>>, vector<16xf32>,
      tpu.vector_store %arg18[%swap3A_552], %add3A_551 {strides = array<i32>} : memref<256xf32, #tpu.memory_space<vmem>>, vector<16xf32>,
      %mul3A_554 = arith.constant 16 : i32
      %mul3A_555 = arith.muli %scan3A_37, %mul3A_554 : i32
      %add3A_556 = arith.constant 14 : i32
      %add3A_557 = arith.addi %mul3A_555, %add3A_556 : i32
      %get3A_558 = arith.index_cast %add3A_557 : i32 to index
      %get3A_559 = arith.constant 0 : index
      %get3A_560 = tpu.vector_load %arg13[%get3A_558, %get3A_559] {strides = array<i32>} : memref<512x64xf32, #tpu.memory_space<vmem>>, vector<16xf32>,
      %get3A_561 = arith.index_cast %add3A_557 : i32 to index
      %get3A_562 = arith.constant 0 : index
      %get3A_563 = tpu.vector_load %arg14[%get3A_561, %get3A_562] {strides = array<i32>} : memref<512x64xf32, #tpu.memory_space<vmem>>, vector<16xf32>,
      %mul3A_564 = arith.mulf %get3A_560, %get3A_563 : vector<16xf32>
      %get3A_565 = arith.index_cast %add3A_557 : i32 to index
      %get3A_566 = arith.constant 16 : index
      %get3A_567 = tpu.vector_load %arg13[%get3A_565, %get3A_566] {strides = array<i32>} : memref<512x64xf32, #tpu.memory_space<vmem>>, vector<16xf32>,
      %get3A_568 = arith.index_cast %add3A_557 : i32 to index
      %get3A_569 = arith.constant 16 : index
      %get3A_570 = tpu.vector_load %arg14[%get3A_568, %get3A_569] {strides = array<i32>} : memref<512x64xf32, #tpu.memory_space<vmem>>, vector<16xf32>,
      %mul3A_571 = arith.mulf %get3A_567, %get3A_570 : vector<16xf32>
      %add3A_572 = arith.addf %mul3A_564, %mul3A_571 : vector<16xf32>
      %get3A_573 = arith.index_cast %add3A_557 : i32 to index
      %get3A_574 = arith.constant 32 : index
      %get3A_575 = tpu.vector_load %arg13[%get3A_573, %get3A_574] {strides = array<i32>} : memref<512x64xf32, #tpu.memory_space<vmem>>, vector<16xf32>,
      %get3A_576 = arith.index_cast %add3A_557 : i32 to index
      %get3A_577 = arith.constant 32 : index
      %get3A_578 = tpu.vector_load %arg14[%get3A_576, %get3A_577] {strides = array<i32>} : memref<512x64xf32, #tpu.memory_space<vmem>>, vector<16xf32>,
      %mul3A_579 = arith.mulf %get3A_575, %get3A_578 : vector<16xf32>
      %add3A_580 = arith.addf %add3A_572, %mul3A_579 : vector<16xf32>
      %get3A_581 = arith.index_cast %add3A_557 : i32 to index
      %get3A_582 = arith.constant 48 : index
      %get3A_583 = tpu.vector_load %arg13[%get3A_581, %get3A_582] {strides = array<i32>} : memref<512x64xf32, #tpu.memory_space<vmem>>, vector<16xf32>,
      %get3A_584 = arith.index_cast %add3A_557 : i32 to index
      %get3A_585 = arith.constant 48 : index
      %get3A_586 = tpu.vector_load %arg14[%get3A_584, %get3A_585] {strides = array<i32>} : memref<512x64xf32, #tpu.memory_space<vmem>>, vector<16xf32>,
      %mul3A_587 = arith.mulf %get3A_583, %get3A_586 : vector<16xf32>
      %add3A_588 = arith.addf %add3A_580, %mul3A_587 : vector<16xf32>
      %swap3A_589 = arith.constant 224 : index
      %swap3A_590 = tpu.vector_load %arg18[%swap3A_589] {strides = array<i32>} : memref<256xf32, #tpu.memory_space<vmem>>, vector<16xf32>,
      tpu.vector_store %arg18[%swap3A_589], %add3A_588 {strides = array<i32>} : memref<256xf32, #tpu.memory_space<vmem>>, vector<16xf32>,
      %mul3A_591 = arith.constant 16 : i32
      %mul3A_592 = arith.muli %scan3A_37, %mul3A_591 : i32
      %add3A_593 = arith.constant 15 : i32
      %add3A_594 = arith.addi %mul3A_592, %add3A_593 : i32
      %get3A_595 = arith.index_cast %add3A_594 : i32 to index
      %get3A_596 = arith.constant 0 : index
      %get3A_597 = tpu.vector_load %arg13[%get3A_595, %get3A_596] {strides = array<i32>} : memref<512x64xf32, #tpu.memory_space<vmem>>, vector<16xf32>,
      %get3A_598 = arith.index_cast %add3A_594 : i32 to index
      %get3A_599 = arith.constant 0 : index
      %get3A_600 = tpu.vector_load %arg14[%get3A_598, %get3A_599] {strides = array<i32>} : memref<512x64xf32, #tpu.memory_space<vmem>>, vector<16xf32>,
      %mul3A_601 = arith.mulf %get3A_597, %get3A_600 : vector<16xf32>
      %get3A_602 = arith.index_cast %add3A_594 : i32 to index
      %get3A_603 = arith.constant 16 : index
      %get3A_604 = tpu.vector_load %arg13[%get3A_602, %get3A_603] {strides = array<i32>} : memref<512x64xf32, #tpu.memory_space<vmem>>, vector<16xf32>,
      %get3A_605 = arith.index_cast %add3A_594 : i32 to index
      %get3A_606 = arith.constant 16 : index
      %get3A_607 = tpu.vector_load %arg14[%get3A_605, %get3A_606] {strides = array<i32>} : memref<512x64xf32, #tpu.memory_space<vmem>>, vector<16xf32>,
      %mul3A_608 = arith.mulf %get3A_604, %get3A_607 : vector<16xf32>
      %add3A_609 = arith.addf %mul3A_601, %mul3A_608 : vector<16xf32>
      %get3A_610 = arith.index_cast %add3A_594 : i32 to index
      %get3A_611 = arith.constant 32 : index
      %get3A_612 = tpu.vector_load %arg13[%get3A_610, %get3A_611] {strides = array<i32>} : memref<512x64xf32, #tpu.memory_space<vmem>>, vector<16xf32>,
      %get3A_613 = arith.index_cast %add3A_594 : i32 to index
      %get3A_614 = arith.constant 32 : index
      %get3A_615 = tpu.vector_load %arg14[%get3A_613, %get3A_614] {strides = array<i32>} : memref<512x64xf32, #tpu.memory_space<vmem>>, vector<16xf32>,
      %mul3A_616 = arith.mulf %get3A_612, %get3A_615 : vector<16xf32>
      %add3A_617 = arith.addf %add3A_609, %mul3A_616 : vector<16xf32>
      %get3A_618 = arith.index_cast %add3A_594 : i32 to index
      %get3A_619 = arith.constant 48 : index
      %get3A_620 = tpu.vector_load %arg13[%get3A_618, %get3A_619] {strides = array<i32>} : memref<512x64xf32, #tpu.memory_space<vmem>>, vector<16xf32>,
      %get3A_621 = arith.index_cast %add3A_594 : i32 to index
      %get3A_622 = arith.constant 48 : index
      %get3A_623 = tpu.vector_load %arg14[%get3A_621, %get3A_622] {strides = array<i32>} : memref<512x64xf32, #tpu.memory_space<vmem>>, vector<16xf32>,
      %mul3A_624 = arith.mulf %get3A_620, %get3A_623 : vector<16xf32>
      %add3A_625 = arith.addf %add3A_617, %mul3A_624 : vector<16xf32>
      %swap3A_626 = arith.constant 240 : index
      %swap3A_627 = tpu.vector_load %arg18[%swap3A_626] {strides = array<i32>} : memref<256xf32, #tpu.memory_space<vmem>>, vector<16xf32>,
      tpu.vector_store %arg18[%swap3A_626], %add3A_625 {strides = array<i32>} : memref<256xf32, #tpu.memory_space<vmem>>, vector<16xf32>,
      %mul3A_628 = arith.constant 16 : i32
      %mul3A_629 = vector.broadcast %mul3A_628 : i32 to vector<16xi32>
      %mul3A_630 = arith.muli %iota3A, %mul3A_629 : vector<16xi32>
      %gather3A = tpu.vector_load_idx %arg18[%mul3A_630] : memref<256xf32, #tpu.memory_space<vmem>>[vector<16xi32>], vector<16xf32>,
      %mul3A_631 = arith.constant 16 : i32
      %mul3A_632 = vector.broadcast %mul3A_631 : i32 to vector<16xi32>
      %mul3A_633 = arith.muli %iota3A, %mul3A_632 : vector<16xi32>
      %add3A_634 = arith.constant 1 : i32
      %add3A_635 = vector.broadcast %add3A_634 : i32 to vector<16xi32>
      %add3A_636 = arith.addi %mul3A_633, %add3A_635 : vector<16xi32>
      %gather3A_637 = tpu.vector_load_idx %arg18[%add3A_636] : memref<256xf32, #tpu.memory_space<vmem>>[vector<16xi32>], vector<16xf32>,
      %add3A_638 = arith.addf %gather3A, %gather3A_637 : vector<16xf32>
      %mul3A_639 = arith.constant 16 : i32
      %mul3A_640 = vector.broadcast %mul3A_639 : i32 to vector<16xi32>
      %mul3A_641 = arith.muli %iota3A, %mul3A_640 : vector<16xi32>
      %add3A_642 = arith.constant 2 : i32
      %add3A_643 = vector.broadcast %add3A_642 : i32 to vector<16xi32>
      %add3A_644 = arith.addi %mul3A_641, %add3A_643 : vector<16xi32>
      %gather3A_645 = tpu.vector_load_idx %arg18[%add3A_644] : memref<256xf32, #tpu.memory_space<vmem>>[vector<16xi32>], vector<16xf32>,
      %add3A_646 = arith.addf %add3A_638, %gather3A_645 : vector<16xf32>
      %mul3A_647 = arith.constant 16 : i32
      %mul3A_648 = vector.broadcast %mul3A_647 : i32 to vector<16xi32>
      %mul3A_649 = arith.muli %iota3A, %mul3A_648 : vector<16xi32>
      %add3A_650 = arith.constant 3 : i32
      %add3A_651 = vector.broadcast %add3A_650 : i32 to vector<16xi32>
      %add3A_652 = arith.addi %mul3A_649, %add3A_651 : vector<16xi32>
      %gather3A_653 = tpu.vector_load_idx %arg18[%add3A_652] : memref<256xf32, #tpu.memory_space<vmem>>[vector<16xi32>], vector<16xf32>,
      %add3A_654 = arith.addf %add3A_646, %gather3A_653 : vector<16xf32>
      %mul3A_655 = arith.constant 16 : i32
      %mul3A_656 = vector.broadcast %mul3A_655 : i32 to vector<16xi32>
      %mul3A_657 = arith.muli %iota3A, %mul3A_656 : vector<16xi32>
      %add3A_658 = arith.constant 4 : i32
      %add3A_659 = vector.broadcast %add3A_658 : i32 to vector<16xi32>
      %add3A_660 = arith.addi %mul3A_657, %add3A_659 : vector<16xi32>
      %gather3A_661 = tpu.vector_load_idx %arg18[%add3A_660] : memref<256xf32, #tpu.memory_space<vmem>>[vector<16xi32>], vector<16xf32>,
      %add3A_662 = arith.addf %add3A_654, %gather3A_661 : vector<16xf32>
      %mul3A_663 = arith.constant 16 : i32
      %mul3A_664 = vector.broadcast %mul3A_663 : i32 to vector<16xi32>
      %mul3A_665 = arith.muli %iota3A, %mul3A_664 : vector<16xi32>
      %add3A_666 = arith.constant 5 : i32
      %add3A_667 = vector.broadcast %add3A_666 : i32 to vector<16xi32>
      %add3A_668 = arith.addi %mul3A_665, %add3A_667 : vector<16xi32>
      %gather3A_669 = tpu.vector_load_idx %arg18[%add3A_668] : memref<256xf32, #tpu.memory_space<vmem>>[vector<16xi32>], vector<16xf32>,
      %add3A_670 = arith.addf %add3A_662, %gather3A_669 : vector<16xf32>
      %mul3A_671 = arith.constant 16 : i32
      %mul3A_672 = vector.broadcast %mul3A_671 : i32 to vector<16xi32>
      %mul3A_673 = arith.muli %iota3A, %mul3A_672 : vector<16xi32>
      %add3A_674 = arith.constant 6 : i32
      %add3A_675 = vector.broadcast %add3A_674 : i32 to vector<16xi32>
      %add3A_676 = arith.addi %mul3A_673, %add3A_675 : vector<16xi32>
      %gather3A_677 = tpu.vector_load_idx %arg18[%add3A_676] : memref<256xf32, #tpu.memory_space<vmem>>[vector<16xi32>], vector<16xf32>,
      %add3A_678 = arith.addf %add3A_670, %gather3A_677 : vector<16xf32>
      %mul3A_679 = arith.constant 16 : i32
      %mul3A_680 = vector.broadcast %mul3A_679 : i32 to vector<16xi32>
      %mul3A_681 = arith.muli %iota3A, %mul3A_680 : vector<16xi32>
      %add3A_682 = arith.constant 7 : i32
      %add3A_683 = vector.broadcast %add3A_682 : i32 to vector<16xi32>
      %add3A_684 = arith.addi %mul3A_681, %add3A_683 : vector<16xi32>
      %gather3A_685 = tpu.vector_load_idx %arg18[%add3A_684] : memref<256xf32, #tpu.memory_space<vmem>>[vector<16xi32>], vector<16xf32>,
      %add3A_686 = arith.addf %add3A_678, %gather3A_685 : vector<16xf32>
      %mul3A_687 = arith.constant 16 : i32
      %mul3A_688 = vector.broadcast %mul3A_687 : i32 to vector<16xi32>
      %mul3A_689 = arith.muli %iota3A, %mul3A_688 : vector<16xi32>
      %add3A_690 = arith.constant 8 : i32
      %add3A_691 = vector.broadcast %add3A_690 : i32 to vector<16xi32>
      %add3A_692 = arith.addi %mul3A_689, %add3A_691 : vector<16xi32>
      %gather3A_693 = tpu.vector_load_idx %arg18[%add3A_692] : memref<256xf32, #tpu.memory_space<vmem>>[vector<16xi32>], vector<16xf32>,
      %add3A_694 = arith.addf %add3A_686, %gather3A_693 : vector<16xf32>
      %mul3A_695 = arith.constant 16 : i32
      %mul3A_696 = vector.broadcast %mul3A_695 : i32 to vector<16xi32>
      %mul3A_697 = arith.muli %iota3A, %mul3A_696 : vector<16xi32>
      %add3A_698 = arith.constant 9 : i32
      %add3A_699 = vector.broadcast %add3A_698 : i32 to vector<16xi32>
      %add3A_700 = arith.addi %mul3A_697, %add3A_699 : vector<16xi32>
      %gather3A_701 = tpu.vector_load_idx %arg18[%add3A_700] : memref<256xf32, #tpu.memory_space<vmem>>[vector<16xi32>], vector<16xf32>,
      %add3A_702 = arith.addf %add3A_694, %gather3A_701 : vector<16xf32>
      %mul3A_703 = arith.constant 16 : i32
      %mul3A_704 = vector.broadcast %mul3A_703 : i32 to vector<16xi32>
      %mul3A_705 = arith.muli %iota3A, %mul3A_704 : vector<16xi32>
      %add3A_706 = arith.constant 10 : i32
      %add3A_707 = vector.broadcast %add3A_706 : i32 to vector<16xi32>
      %add3A_708 = arith.addi %mul3A_705, %add3A_707 : vector<16xi32>
      %gather3A_709 = tpu.vector_load_idx %arg18[%add3A_708] : memref<256xf32, #tpu.memory_space<vmem>>[vector<16xi32>], vector<16xf32>,
      %add3A_710 = arith.addf %add3A_702, %gather3A_709 : vector<16xf32>
      %mul3A_711 = arith.constant 16 : i32
      %mul3A_712 = vector.broadcast %mul3A_711 : i32 to vector<16xi32>
      %mul3A_713 = arith.muli %iota3A, %mul3A_712 : vector<16xi32>
      %add3A_714 = arith.constant 11 : i32
      %add3A_715 = vector.broadcast %add3A_714 : i32 to vector<16xi32>
      %add3A_716 = arith.addi %mul3A_713, %add3A_715 : vector<16xi32>
      %gather3A_717 = tpu.vector_load_idx %arg18[%add3A_716] : memref<256xf32, #tpu.memory_space<vmem>>[vector<16xi32>], vector<16xf32>,
      %add3A_718 = arith.addf %add3A_710, %gather3A_717 : vector<16xf32>
      %mul3A_719 = arith.constant 16 : i32
      %mul3A_720 = vector.broadcast %mul3A_719 : i32 to vector<16xi32>
      %mul3A_721 = arith.muli %iota3A, %mul3A_720 : vector<16xi32>
      %add3A_722 = arith.constant 12 : i32
      %add3A_723 = vector.broadcast %add3A_722 : i32 to vector<16xi32>
      %add3A_724 = arith.addi %mul3A_721, %add3A_723 : vector<16xi32>
      %gather3A_725 = tpu.vector_load_idx %arg18[%add3A_724] : memref<256xf32, #tpu.memory_space<vmem>>[vector<16xi32>], vector<16xf32>,
      %add3A_726 = arith.addf %add3A_718, %gather3A_725 : vector<16xf32>
      %mul3A_727 = arith.constant 16 : i32
      %mul3A_728 = vector.broadcast %mul3A_727 : i32 to vector<16xi32>
      %mul3A_729 = arith.muli %iota3A, %mul3A_728 : vector<16xi32>
      %add3A_730 = arith.constant 13 : i32
      %add3A_731 = vector.broadcast %add3A_730 : i32 to vector<16xi32>
      %add3A_732 = arith.addi %mul3A_729, %add3A_731 : vector<16xi32>
      %gather3A_733 = tpu.vector_load_idx %arg18[%add3A_732] : memref<256xf32, #tpu.memory_space<vmem>>[vector<16xi32>], vector<16xf32>,
      %add3A_734 = arith.addf %add3A_726, %gather3A_733 : vector<16xf32>
      %mul3A_735 = arith.constant 16 : i32
      %mul3A_736 = vector.broadcast %mul3A_735 : i32 to vector<16xi32>
      %mul3A_737 = arith.muli %iota3A, %mul3A_736 : vector<16xi32>
      %add3A_738 = arith.constant 14 : i32
      %add3A_739 = vector.broadcast %add3A_738 : i32 to vector<16xi32>
      %add3A_740 = arith.addi %mul3A_737, %add3A_739 : vector<16xi32>
      %gather3A_741 = tpu.vector_load_idx %arg18[%add3A_740] : memref<256xf32, #tpu.memory_space<vmem>>[vector<16xi32>], vector<16xf32>,
      %add3A_742 = arith.addf %add3A_734, %gather3A_741 : vector<16xf32>
      %mul3A_743 = arith.constant 16 : i32
      %mul3A_744 = vector.broadcast %mul3A_743 : i32 to vector<16xi32>
      %mul3A_745 = arith.muli %iota3A, %mul3A_744 : vector<16xi32>
      %add3A_746 = arith.constant 15 : i32
      %add3A_747 = vector.broadcast %add3A_746 : i32 to vector<16xi32>
      %add3A_748 = arith.addi %mul3A_745, %add3A_747 : vector<16xi32>
      %gather3A_749 = tpu.vector_load_idx %arg18[%add3A_748] : memref<256xf32, #tpu.memory_space<vmem>>[vector<16xi32>], vector<16xf32>,
      %add3A_750 = arith.addf %add3A_742, %gather3A_749 : vector<16xf32>
      %mul3A_751 = arith.constant 16 : i32
      %mul3A_752 = arith.muli %scan3A_37, %mul3A_751 : i32
      %add3A_753 = vector.broadcast %mul3A_752 : i32 to vector<16xi32>
      %add3A_754 = arith.addi %add3A_753, %iota3A : vector<16xi32>
      %mul3A_755 = arith.constant 16 : i32
      %mul3A_756 = arith.muli %scan3A_37, %mul3A_755 : i32
      %get3A_757 = arith.index_cast %mul3A_756 : i32 to index
      %get3A_758 = tpu.vector_load %arg9[%get3A_757] {strides = array<i32>} : memref<512xi32, #tpu.memory_space<vmem>>, vector<16xi32>,
      %and3A = arith.andi %get3A_758, %broadcast_in_dim3A_30 : vector<16xi32>
      %mul3A_759 = arith.constant 16 : i32
      %mul3A_760 = arith.muli %scan3A_37, %mul3A_759 : i32
      %get3A_761 = arith.index_cast %mul3A_760 : i32 to index
      %get3A_762 = tpu.vector_load %arg10[%get3A_761] {strides = array<i32>} : memref<512xi32, #tpu.memory_space<vmem>>, vector<16xi32>,
      %and3A_763 = arith.andi %get3A_762, %broadcast_in_dim3A_30 : vector<16xi32>
      %gather3A_764 = tpu.vector_load_idx %arg15[%add3A_754, %and3A] : memref<512x16xf32, #tpu.memory_space<vmem>>[vector<16xi32>, vector<16xi32>], vector<16xf32>,
      %add3A_765 = arith.addf %add3A_750, %gather3A_764 : vector<16xf32>
      %gather3A_766 = tpu.vector_load_idx %arg16[%add3A_754, %and3A_763] : memref<512x16xf32, #tpu.memory_space<vmem>>[vector<16xi32>, vector<16xi32>], vector<16xf32>,
      %add3A_767 = arith.addf %add3A_765, %gather3A_766 : vector<16xf32>
      %neg3A = arith.constant 0.000000e+00 : f32
      %neg3A_768 = vector.broadcast %neg3A : f32 to vector<16xf32>
      %neg3A_769 = arith.subf %neg3A_768, %add3A_767 : vector<16xf32>
      %exp3A = math.exp %neg3A_769 : vector<16xf32>
      %add3A_770 = arith.constant 1.000000e+00 : f32
      %add3A_771 = vector.broadcast %add3A_770 : f32 to vector<16xf32>
      %add3A_772 = arith.addf %add3A_771, %exp3A : vector<16xf32>
      %div3A = arith.constant 1.000000e+00 : f32
      %div3A_773 = vector.broadcast %div3A : f32 to vector<16xf32>
      %div3A_774 = arith.divf %div3A_773, %add3A_772 : vector<16xf32>
      %mul3A_775 = arith.constant 16 : i32
      %mul3A_776 = arith.muli %scan3A_37, %mul3A_775 : i32
      %swap3A_777 = arith.index_cast %mul3A_776 : i32 to index
      %swap3A_778 = tpu.vector_load %arg17[%swap3A_777] {strides = array<i32>} : memref<512xf32, #tpu.memory_space<vmem>>, vector<16xf32>,
      tpu.vector_store %arg17[%swap3A_777], %div3A_774 {strides = array<i32>} : memref<512xf32, #tpu.memory_space<vmem>>, vector<16xf32>,
    }
    %scan3A_36 = arith.constant 32 : i32
    "tpu.region"() ({
      %run_scoped3A = tpu.sem_alloc : memref<!tpu.dma_semaphore, #tpu.memory_space<semaphore_mem>>
      %dma_start3A_37 = tpu.memref_slice %arg8[%mul3A_2] : memref<16384xf32, #tpu.memory_space<hbm>> -> memref<512xf32, #tpu.memory_space<hbm>>
      %dma_start3A_38 = tpu.memref_slice %arg8[%mul3A_2] : memref<16384xf32, #tpu.memory_space<hbm>> -> memref<512xf32, #tpu.memory_space<hbm>>
      tpu.enqueue_dma source(%arg17 : memref<512xf32, #tpu.memory_space<vmem>>) target(%dma_start3A_38 : memref<512xf32, #tpu.memory_space<hbm>>) target_semaphore(%run_scoped3A : memref<!tpu.dma_semaphore, #tpu.memory_space<semaphore_mem>>)
      %dma_wait3A_39 = tpu.memref_slice %arg8[%mul3A_2] : memref<16384xf32, #tpu.memory_space<hbm>> -> memref<512xf32, #tpu.memory_space<hbm>>
      %dma_wait3A_40 = tpu.memref_slice %arg8[%mul3A_2] : memref<16384xf32, #tpu.memory_space<hbm>> -> memref<512xf32, #tpu.memory_space<hbm>>
      tpu.wait_dma2 semaphore(%run_scoped3A : memref<!tpu.dma_semaphore, #tpu.memory_space<semaphore_mem>>) src(%arg17 : memref<512xf32, #tpu.memory_space<vmem>>) dst(%dma_wait3A_40 : memref<512xf32, #tpu.memory_space<hbm>>)
      tpu.yield
    }) : () -> ()
    return
  }
}

</mosaic_0001>

<sc_bundles>
// kernel: _mf.3.cloned.1.call-start
scs
__scs_entry_jumppad:
0x0: {  	(pc) =	sbr.rel $0x88, $3  }
0x1: {  	(tag) =	ssettag $0x0;
	lr =	simm.s32 $0x1  }
0x2: {  	[smem:$0x3F9B] =	sst lr;
	_ =	strace $0xD0000000  }
0x3: {  	_ = 	snop  }
0x4: {  	_ = 	snop  }
0x5: {  	_ = 	snop  }
0x6: {  	_ = 	snop  }
0x7: {  	_ = 	snop  }
__scs_overlays_trampoline_lowered:
0x8: {  	[smem:$0x3FAA] =	sst s0  }
0x9: {  	[smem:$0x3FAB] =	sst s1  }
0xa: {  	[smem:$0x3FAC] =	sst s2  }
0xb: {  	[smem:$0x3FAD] =	sst s3  }
0xc: {  	[smem:$0x3FAE] =	sst s4  }
0xd: {  	[smem:$0x3FAF] =	sst s5  }
0xe: {  	[smem:$0x3FB0] =	sst s6  }
0xf: {  	[smem:$0x3FB1] =	sst s7  }
0x10: {  	[smem:$0x3FB2] =	sst s8  }
0x11: {  	[smem:$0x3FB3] =	sst s9;
	s0 =	simm.s32 @!p0 $0x0  }
0x12: {  	s1 =	sld [smem:$0x3F99];
	s0 =	simm.s32 @p0 $0x1  }
0x13: {  	[smem:$0x3FB4] =	sst s0;
	s0 =	simm.s32 @!p1 $0x0  }
0x14: {  	s2 =	sld [smem:$0x3F98];
	s0 =	simm.s32 @p1 $0x1  }
0x15: {  	[smem:$0x3FB5] =	sst s0;
	s0 =	simm.s32 @!p2 $0x0  }
0x16: {  	s3 =	sld [smem:$0x3FDB];
	s0 =	simm.s32 @p2 $0x1  }
0x17: {  	s4 =	simm.s32 $0x1BF5;
	[smem:$0x3FB7] =	sst s0  }
0x18: {  	s0 =	sld [smem:$0x3F9A];
	_ =	swait.ge [sflag:s4], $0x0  }
0x19: {  	s7 =	sld [smem:$0x3F9B]  }
0x1a: {  	s8 =	sadd.s32 $0xFFFFE003, lr  }
0x1b: {  	s9 =	sadd.s32 $0xFFFFFEF7, lr;
	s5 =	simm.s32 $0xFFFFFFFF;
	p2 =	slt.u32 s8, $0xFFFFF086  }
0x1c: {  	p1 =	slt.u32 s9, $0xF7A;
	s5 =	simm.s32 @!p2 $0x0  }
0x1d: {  	s5 =	simm.s32 @p1 $0x1;
	p0 =	seq.s32 s7, s2  }
0x1e: {  	s7 =	smul.u32 @!p0 $0xF7A, s2;
	p2 =	seq.s32 @!p0 s5, $0x0  }
0x1f: {  	s9 =	smul.u32 $0xF7A, s1;
	s8 =	simm.s32 @!p0 $0x1BF5;
	p2 =	por !p2, p0  }
0x20: {  	[sflag:s8] =	ssyncset.s32 @!p0 $0xFFFFF086;
	s6 =	sadd.s32 @!p0 s3, s7;
	s7 =	simm.s32 @!p0 $0x108  }
0x21: {  	s3 =	sadd.s32 s3, s9;
	s6 =	sadd.s32 @!p0 $0x88, s6;
	s7 =	simm.s32 @p2 $0x1082  }
0x22: {  	[simem:s7], [sflag:s8] =	dma.local @!p0 [hbm:s6], $0xF7A  }
0x23: {  	s9 =	sor.u32 $0xD0000000, s2;
	s6 =	simm.s32 $0x108;
	_ =	swait.ge @!p0 [sflag:s8], $0x0  }
0x24: {  	s3 =	sadd.s32 $0x88, s3;
	s6 =	simm.s32 @!p1 $0x1082;
	[sflag:s4] =	ssyncset.s32 $0xFFFFF086  }
0x25: {  	[simem:s6], [sflag:s4] =	dma.local [hbm:s3], $0xF7A  }
0x26: {  	[smem:$0x3F9B] =	sst s1;
	(tag) =	ssettag s2;
	_ =	strace s9  }
0x27: {  	s1 =	sld [smem:$0x3FAB]  }
0x28: {  	s2 =	sld [smem:$0x3FAC]  }
0x29: {  	s4 =	sld [smem:$0x3FAE]  }
0x2a: {  	p0 =	seq.s32 s5, $0x0;
	s5 =	sld [smem:$0x3FAF]  }
0x2b: {  	s6 =	sld [smem:$0x3FB0]  }
0x2c: {  	s7 =	sld [smem:$0x3FB1]  }
0x2d: {  	s3 =	simm.s32 $0x108;
	s8 =	sld [smem:$0x3FB2]  }
0x2e: {  	s3 =	simm.s32 @!p0 $0x1082;
	s9 =	sld [smem:$0x3FB3]  }
0x2f: {  	lr =	sadd.s32 s0, s3;
	s0 =	sld [smem:$0x3FAA]  }
0x30: {  	s3 =	sld [smem:$0x3FAD]  }
0x31: {  	[smem:$0x3FB6] =	sst s10  }
0x32: {  	s10 =	sld [smem:$0x3FB4];
	_ =	sdelay $0x3  }
0x33: {  	p0 =	seq.s32 s10, $0x1;
	s10 =	sld [smem:$0x3FB6];
	_ =	sdelay $0x3  }
0x34: {  	[smem:$0x3FB6] =	sst s10  }
0x35: {  	s10 =	sld [smem:$0x3FB5];
	_ =	sdelay $0x3  }
0x36: {  	p1 =	seq.s32 s10, $0x1;
	s10 =	sld [smem:$0x3FB6];
	_ =	sdelay $0x3  }
0x37: {  	[smem:$0x3FB6] =	sst s10  }
0x38: {  	s10 =	sld [smem:$0x3FB7]  }
0x39: {  	_ = 	snop;
	(pc) =	sbr.ind lr, $3  }
0x3a: {  	_ = 	snop  }
0x3b: {  	_ = 	snop  }
0x3c: {  	p2 =	seq.s32 s10, $0x1;
	s10 =	sld [smem:$0x3FB6]  }
0x3d: {  	_ =	shalt  }
0x3e: {  	_ =	shalt  }
0x3f: {  	_ =	shalt  }
0x40: {  	_ =	shalt  }
0x41: {  	_ =	shalt  }
0x42: {  	_ =	shalt  }
0x43: {  	_ =	shalt  }
0x44: {  	_ =	shalt  }
0x45: {  	_ =	shalt  }
0x46: {  	_ =	shalt  }
0x47: {  	_ =	shalt  }
0x48: {  	_ =	shalt  }
0x49: {  	_ =	shalt  }
0x4a: {  	_ =	shalt  }
0x4b: {  	_ =	shalt  }
0x4c: {  	_ =	shalt  }
0x4d: {  	_ =	shalt  }
0x4e: {  	_ =	shalt  }
0x4f: {  	_ =	shalt  }
0x50: {  	_ =	shalt  }
0x51: {  	_ =	shalt  }
0x52: {  	_ =	shalt  }
0x53: {  	_ =	shalt  }
0x54: {  	_ =	shalt  }
0x55: {  	_ =	shalt  }
0x56: {  	_ =	shalt  }
0x57: {  	_ =	shalt  }
0x58: {  	_ =	shalt  }
0x59: {  	_ =	shalt  }
0x5a: {  	_ =	shalt  }
0x5b: {  	_ =	shalt  }
0x5c: {  	_ =	shalt  }
0x5d: {  	_ =	shalt  }
0x5e: {  	_ =	shalt  }
0x5f: {  	_ =	shalt  }
0x60: {  	_ =	shalt  }
0x61: {  	_ =	shalt  }
0x62: {  	_ =	shalt  }
0x63: {  	_ =	shalt  }
0x64: {  	_ =	shalt  }
0x65: {  	_ =	shalt  }
0x66: {  	_ =	shalt  }
0x67: {  	_ =	shalt  }
0x68: {  	_ =	shalt  }
0x69: {  	_ =	shalt  }
0x6a: {  	_ =	shalt  }
0x6b: {  	_ =	shalt  }
0x6c: {  	_ =	shalt  }
0x6d: {  	_ =	shalt  }
0x6e: {  	_ =	shalt  }
0x6f: {  	_ =	shalt  }
0x70: {  	_ =	shalt  }
0x71: {  	_ =	shalt  }
0x72: {  	_ =	shalt  }
0x73: {  	_ =	shalt  }
0x74: {  	_ =	shalt  }
0x75: {  	_ =	shalt  }
0x76: {  	_ =	shalt  }
0x77: {  	_ =	shalt  }
0x78: {  	_ =	shalt  }
0x79: {  	_ =	shalt  }
0x7a: {  	_ =	shalt  }
0x7b: {  	_ =	shalt  }
0x7c: {  	_ =	shalt  }
0x7d: {  	_ =	shalt  }
0x7e: {  	_ =	shalt  }
0x7f: {  	_ =	shalt  }
0x80: {  	_ =	shalt  }
0x81: {  	_ =	shalt  }
0x82: {  	_ =	shalt  }
0x83: {  	_ =	shalt  }
0x84: {  	_ =	shalt  }
0x85: {  	_ =	shalt  }
0x86: {  	_ =	shalt  }
0x87: {  	_ =	shalt  }
.Lfunc_end0:
.L_simem_size_0:
called_computation_lowered:
.L_overlay_start_0:
0x88: {  	s2 =	sld [smem:$0x3FD9]  }
0x89: {  	s3 =	sld [smem:$0x3FFE];
	_ =	sdelay $0x1  }
0x8a: {  	s1 =	srdreg.scid  }
0x8b: {  	s0 =	sand.u32 $0x1, s1  }
0x8c: {  	s17 =	sshll.u32 s0, $0xA;
	s2 =	sadd.s32 s3, s2  }
0x8d: {  	s2 =	sadd.s32 s2, s17  }
0x8e: {  	[smem:$0x3FC2] =	sst s2  }
0x8f: {  	_ = 	snop  }
0x90: {  	s2 =	sld [smem:$0x3FC9]  }
0x91: {  	s18 =	sld [smem:$0x3FC8]  }
0x92: {  	s4 =	sld [smem:$0x3FD0];
	(tm) =	ssettm $0x1  }
0x93: {  	s5 =	sld [smem:$0x3FFB];
	_ =	sdelay $0x3  }
0x94: {  	_ =	strace s5  }
0x95: {  	s5 =	sld [smem:$0x3FFC];
	_ =	sdelay $0x3  }
0x96: {  	_ =	strace s5  }
0x97: {  	s5 =	sld [smem:$0x3FFD];
	_ =	sdelay $0x3  }
0x98: {  	_ =	strace s5  }
0x99: {  	_ =	strace $0x8FFFFFFF  }
0x9a: {  	s19 =	sld [smem:$0x3FDB];
	_ =	sdelay $0x1  }
0x9b: {  	s6 =	simm.s32 $_scs_section_size  }
0x9c: {  	s7 =	simm.s32 $_size__tile_overlayer_lowered;
	s8 =	simm.s32 $_tile_overlayer_lowered  }
0x9d: {  	s22 =	simm.s32 $0x1BFF;
	s21 =	sshll.u32 s8, $0x1;
	s5 =	sadd.s32 s6, s19  }
0x9e: {  	s9 =	simm.s32 $0x0;
	s20 =	sshll.u32 s7, $0x1;
	s7 =	sadd.s32 s21, s5  }
0x9f: {  	[timem:s9], [sflag:s22] =	dma.local [hbm:s7], s20  }
0xa0: {  	_ =	swait.ge [sflag:s22], s20  }
0xa1: {  	s6 =	ssub.s32 $0x0, s20;
	[sflag:s22] =	ssyncset.done $0x0  }
0xa2: {  	[sflag:s22] =	ssyncadd.s32 s6;
	_ =	sdelay $0x1  }
0xa3: {  	s23 =	simm.s32 $0x1B8B  }
0xa4: {  	_ =	swait.ge [sflag:s23], $0x1  }
0xa5: {  	[sflag:s23] =	ssyncset.done $0x0  }
0xa6: {  	s25 =	simm.s32 $0x1B8E;
	s24 =	sld [smem:$0x3FFE];
	[sflag:s23] =	ssyncadd.s32 $0xFFFFFFFF  }
0xa7: {  	s26 =	simm.s32 $execute0_lowered;
	[smem:$0x3FD2] =	sst s25  }
0xa8: {  	s7 =	sshll.u32 s26, $0x1;
	_ =	strace $0x80000046;
	[dreg:$0x1] =	wrdreg $0xFFFFFFFF  }
0xa9: {  	s28 =	simm.s32 $_size_execute0_lowered;
	s5 =	sadd.s32 s5, s7;
	[dreg:$0x0] =	wrdreg $0x0  }
0xaa: {  	s7 =	sshll.u32 s28, $0x1;
	[dreg:$0x2] =	wrdreg s5  }
0xab: {  	[dreg:$0x3] =	wrdreg s7  }
0xac: {  	[dreg:$0x4] =	wrdreg $0xC0  }
0xad: {  	_ =	task [dreg:s9], $0x5FFFF  }
0xae: {  	[dreg:$0x1] =	wrdreg $0xFFFFFFFF  }
0xaf: {  	[dreg:$0x0] =	wrdreg $0x60  }
0xb0: {  	[dreg:$0x2] =	wrdreg s2  }
0xb1: {  	[dreg:$0x3] =	wrdreg s18  }
0xb2: {  	[dreg:$0x4] =	wrdreg s24  }
0xb3: {  	[dreg:$0x5] =	wrdreg s4  }
0xb4: {  	[dreg:$0x6] =	wrdreg $0x9  }
0xb5: {  	_ =	task.clear_ibuf [dreg:s9], $0x7FFFF;
	_ =	strace $0x90000046  }
0xb6: {  	s29 =	simm.s32 $0x9;
	_ =	strace $0x80000048  }
0xb7: {  	_ =	swait.ge [sflag:s29], $0x1  }
0xb8: {  	[sflag:s29] =	ssyncadd.s32 $0xFFFFFFFF  }
0xb9: {  	_ =	strace $0x90000048  }
0xba: {  	_ =	sfence  }
0xbb: {  	s30 =	sld [smem:$0x0];
	_ =	sdelay $0x2  }
0xbc: {  	s31 =	sshll.u32 s1, $0xD;
	s1 =	sshrl.u32 s1, $0x2  }
0xbd: {  	s3 =	sand.u32 $0x4000, s31;
	s1 =	sadd.s32 s1, s30  }
0xbe: {  	s0 =	sor.u32 s3, s0;
	s1 =	sshll.u32 s1, $0x11  }
0xbf: {  	s0 =	sor.u32 s1, s0  }
0xc0: {  	s0 =	sadd.s32 $0x8F2B, s0  }
0xc1: {  	[sflag:s0] =	ssyncadd.remote.s32 $0x1  }
0xc2: {  	_ =	sfence.sel $0xFFFF  }
0xc3: {  	[dreg:$0x0] =	wrdreg $0xFFFFFFFF;
	(pc) =	sbr.abs _section_cstart, $3  }
0xc4: {  	[dreg:$0x1] =	wrdreg $0xFFFFFFFF  }
0xc5: {  	_ =	task.clear_ibuf [dreg:s9], $0x2FFFF;
	_ =	strace $0x9FFFFFFF  }
0xc6: {  	(tm) =	ssettm $0x7FFFFFFF  }
0xc7: {  	_ =	shalt  }
tec
execute0_lowered:
.L_overlay_start_1:
0x0: {  	(tag) =	ssettag $0x1  }
0x1: {  	s7 =	rddreg [dreg:$0x0]  }
0x2: {  	s8 =	rddreg [dreg:$0x1]  }
0x3: {  	s1 =	rddreg [dreg:$0x2]  }
0x4: {  	s9 =	rddreg [dreg:$0x3]  }
0x5: {  	s0 =	rddreg [dreg:$0x4];
	s2 =	simm.s32 $0x0  }
0x6: {  	s5 =	srdreg.scid;
	s3 =	stileid.u32;
	s13 =	simm.s32 $0x800  }
0x7: {  	s14 =	simm.s32 $0x8800;
	s15 =	simm.s32 $0x400;
	s16 =	simm.s32 $0x10800  }
0x8: {  	v0 =	vlaneseq.u32;
	s17 =	simm.s32 $0x600;
	s18 =	simm.s32 $0x12800;
	s19 =	simm.s32 $0x1  }
0x9: {  	s20 =	simm.s32 $0x14A00;
	s21 =	simm.s32 $0x14800;
	s22 =	simm.s32 $0x0;
	v0 =	vmul.u32 $0x10, v0  }
0xa: {  	[smem:$0x7FF] =	sst s2;
	s4 =	sadd.s32 $0x16E3600, s1;
	s5 =	sand.u32 $0x1, s5  }
0xb: {  	s6 =	sshll.u32 s3, $0x7;
	_ =	strace $0x80000047;
	s10 =	ssub.s32 $0x2, s5;
	v1 =	vor.u32 $0x1, v0;
	v2 =	vor.u32 $0x2, v0;
	v3 =	vor.u32 $0x3, v0  }
0xc: {  	s11 =	sshll.u32 s5, $0x6;
	s5 =	sadd.s32 $0xF42400, s1;
	s12 =	sshrl.u32 s10, $0x1;
	v4 =	vor.u32 $0x4, v0;
	v5 =	vor.u32 $0x5, v0;
	v6 =	vor.u32 $0x6, v0  }
0xd: {  	s11 =	sor.u32 s11, s6;
	s6 =	sadd.s32 $0x1EA00, s1;
	v7 =	vor.u32 $0x7, v0;
	v8 =	vor.u32 $0x8, v0;
	v9 =	vor.u32 $0x9, v0;
	s10 =	ssub.s32 s10, s12  }
0xe: {  	v10 =	vor.u32 $0xA, v0;
	v11 =	vor.u32 $0xB, v0;
	v12 =	vor.u32 $0xC, v0;
	s7 =	sadd.s32 s7, s11;
	s8 =	sadd.s32 s8, s11;
	s9 =	sadd.s32 s9, s11  }
0xf: {  	v13 =	vor.u32 $0xD, v0;
	v14 =	vor.u32 $0xE, v0;
	v15 =	vor.u32 $0xF, v0;
	s11 =	simm.s32 $0x2;
	s12 =	simm.s32 $0x200;
	s10 =	smax.u32 s10, $0x1  }
.LBB2_1:
0x10: {  	[tilespmem:s2], [sflag:$0x2] =	stream.linear.gather [hbm4b:s7+s2], $0x200, $0x38;
	[tilespmem:$0x14B00] =	vst v63  }
0x11: {  	_ =	swait.ge [sflag:s11], $0x200  }
0x12: {  	[sflag:s11] =	ssyncset.done $0x0  }
0x13: {  	[sflag:s11] =	ssyncadd.s32 $0xFFFFFE00  }
0x14: {  	[tilespmem:s12], [sflag:$0x2] =	stream.linear.gather [hbm4b:s8+s2], $0x200, $0x38;
	[tilespmem:$0x14B00] =	vst v63  }
0x15: {  	_ =	swait.ge [sflag:s11], $0x200  }
0x16: {  	[sflag:s11] =	ssyncset.done $0x0  }
0x17: {  	[sflag:s11] =	ssyncadd.s32 $0xFFFFFE00  }
0x18: {  	[tilespmem:s13], [sflag:$0x1] =	stream.indirect.gather [hbm4b:s4+s12], $0x40, s2, s12, $0xb8;
	[tilespmem:$0x14B00] =	vst v63  }
0x19: {  	s23 =	simm.s32 $0x0  }
0x1a: {  	[tilespmem:s14], [sflag:$0x1] =	stream.indirect.gather [hbm4b:s5+s12], $0x40, s12, s12, $0xb8;
	[tilespmem:$0x14B00] =	vst v63  }
0x1b: {  	v16 =	vld [tilespmem:s23+$0x200]  }
0x1c: {  	s24 =	simm.s32 $0x40;
	v17 =	vld [tilespmem:s23+$0x0]  }
.LBB2_2:
0x1d: {  	p0 =	sne.s32 s24, $0x7C0  }
.Ltmp0:
0x1e: {  	_ = 	snop;
	(pc) =	sbr.rel @p0 .LBB2_2-.Ltmp0, $4  }
0x1f: {  	_ = 	snop  }
0x20: {  	s25 =	sshra.s32 s24, $0x2;
	s24 =	sadd.s32 $0x40, s24;
	v18 =	vshrl.u32 v16, $0x4  }
0x21: {  	v16 =	vld [tilespmem:s25+$0x200];
	v19 =	vshrl.u32 v17, $0x4;
	[tilespmem:s23+$0x600] =	vst v18  }
0x22: {  	v17 =	vld [tilespmem:s25+$0x0];
	[tilespmem:s23+$0x400] =	vst v19;
	s23 =	smov.u32 s25  }
0x23: {  	_ =	sdelay $0x2  }
0x24: {  	v16 =	vshrl.u32 v16, $0x4  }
0x25: {  	v17 =	vshrl.u32 v17, $0x4;
	[tilespmem:s23+$0x600] =	vst v16  }
0x26: {  	[tilespmem:s23+$0x400] =	vst v17;
	s23 =	simm.s32 $0x200  }
0x27: {  	[tilespmem:s16], [sflag:$0x1] =	stream.indirect.gather [hbm4b:s6+s23], $0x10, s15, s23, $0xb8;
	[tilespmem:$0x14B00] =	vst v63  }
0x28: {  	_ = 	snop  }
0x29: {  	[tilespmem:s18], [sflag:$0x1] =	stream.indirect.gather [hbm4b:s1+s23], $0x10, s17, s23, $0xb8;
	[tilespmem:$0x14B00] =	vst v63  }
0x2a: {  	_ =	swait.ge [sflag:s19], $0x8000  }
0x2b: {  	[sflag:s19] =	ssyncset.done $0x0  }
0x2c: {  	[sflag:s19] =	ssyncadd.s32 $0xFFFF8000  }
0x2d: {  	_ =	swait.ge [sflag:s19], $0x8000  }
0x2e: {  	[sflag:s19] =	ssyncset.done $0x0  }
0x2f: {  	[sflag:s19] =	ssyncadd.s32 $0xFFFF8000  }
0x30: {  	_ =	swait.ge [sflag:s19], $0x2000  }
0x31: {  	[sflag:s19] =	ssyncset.done $0x0  }
0x32: {  	[sflag:s19] =	ssyncadd.s32 $0xFFFFE000  }
0x33: {  	_ =	swait.ge [sflag:s19], $0x2000  }
0x34: {  	[sflag:s19] =	ssyncset.done $0x0  }
0x35: {  	s25 =	simm.s32 $0xA00;
	[sflag:s19] =	ssyncadd.s32 $0xFFFFE000  }
0x36: {  	s24 =	simm.s32 $0x8A00;
	v16 =	vld [tilespmem:s25+$0xFFFFFE00]  }
0x37: {  	v17 =	vld [tilespmem:s24+$0xFFFFFE10]  }
0x38: {  	v18 =	vld [tilespmem:s25+$0xFFFFFE10]  }
0x39: {  	v19 =	vld [tilespmem:s24+$0xFFFFFE00]  }
0x3a: {  	v20 =	vld [tilespmem:s24+$0xFFFFFE20]  }
0x3b: {  	v21 =	vld [tilespmem:s25+$0xFFFFFE20]  }
0x3c: {  	v22 =	vld [tilespmem:s24+$0xFFFFFE30]  }
0x3d: {  	v23 =	vld [tilespmem:s25+$0xFFFFFE30]  }
0x3e: {  	v17 =	vmul.f32 v17, v18;
	v16 =	vmul.f32 v19, v16;
	_ =	sdelay $0x1  }
0x3f: {  	v16 =	vadd.f32 v17, v16;
	v17 =	vmul.f32 v20, v21;
	_ =	sdelay $0x1  }
0x40: {  	v16 =	vadd.f32 v17, v16;
	v17 =	vmul.f32 v22, v23;
	_ =	sdelay $0x1  }
0x41: {  	v16 =	vadd.f32 v17, v16;
	_ =	sdelay $0x1  }
0x42: {  	[tilespmem:$0x14A00] =	vst v16  }
0x43: {  	v16 =	vld [tilespmem:s24+$0xFFFFFE50]  }
0x44: {  	v17 =	vld [tilespmem:s25+$0xFFFFFE40]  }
0x45: {  	v18 =	vld [tilespmem:s25+$0xFFFFFE50]  }
0x46: {  	v19 =	vld [tilespmem:s24+$0xFFFFFE40]  }
0x47: {  	v20 =	vld [tilespmem:s24+$0xFFFFFE60]  }
0x48: {  	v21 =	vld [tilespmem:s25+$0xFFFFFE60]  }
0x49: {  	v22 =	vld [tilespmem:s24+$0xFFFFFE70]  }
0x4a: {  	v23 =	vld [tilespmem:s25+$0xFFFFFE70]  }
0x4b: {  	v16 =	vmul.f32 v16, v18;
	v17 =	vmul.f32 v19, v17;
	_ =	sdelay $0x1  }
0x4c: {  	v16 =	vadd.f32 v16, v17;
	v17 =	vmul.f32 v20, v21;
	_ =	sdelay $0x1  }
0x4d: {  	v16 =	vadd.f32 v17, v16;
	v17 =	vmul.f32 v22, v23;
	_ =	sdelay $0x1  }
0x4e: {  	v16 =	vadd.f32 v17, v16;
	_ =	sdelay $0x1  }
0x4f: {  	[tilespmem:$0x14A10] =	vst v16  }
0x50: {  	v16 =	vld [tilespmem:s25+$0xFFFFFE80]  }
0x51: {  	v17 =	vld [tilespmem:s24+$0xFFFFFE80]  }
0x52: {  	v18 =	vld [tilespmem:s24+$0xFFFFFE90]  }
0x53: {  	v19 =	vld [tilespmem:s25+$0xFFFFFE90]  }
0x54: {  	v20 =	vld [tilespmem:s24+$0xFFFFFEA0]  }
0x55: {  	v21 =	vld [tilespmem:s25+$0xFFFFFEA0]  }
0x56: {  	v22 =	vld [tilespmem:s24+$0xFFFFFEB0]  }
0x57: {  	v23 =	vld [tilespmem:s25+$0xFFFFFEB0]  }
0x58: {  	v16 =	vmul.f32 v17, v16;
	v17 =	vmul.f32 v18, v19;
	_ =	sdelay $0x1  }
0x59: {  	v16 =	vadd.f32 v17, v16;
	v17 =	vmul.f32 v20, v21;
	_ =	sdelay $0x1  }
0x5a: {  	v16 =	vadd.f32 v17, v16;
	v17 =	vmul.f32 v22, v23;
	_ =	sdelay $0x1  }
0x5b: {  	v16 =	vadd.f32 v17, v16;
	_ =	sdelay $0x1  }
0x5c: {  	[tilespmem:$0x14A20] =	vst v16  }
0x5d: {  	v16 =	vld [tilespmem:s24+$0xFFFFFEC0]  }
0x5e: {  	v17 =	vld [tilespmem:s25+$0xFFFFFEC0]  }
0x5f: {  	v18 =	vld [tilespmem:s25+$0xFFFFFED0]  }
0x60: {  	v19 =	vld [tilespmem:s24+$0xFFFFFED0]  }
0x61: {  	v20 =	vld [tilespmem:s24+$0xFFFFFEE0]  }
0x62: {  	v21 =	vld [tilespmem:s25+$0xFFFFFEE0]  }
0x63: {  	v22 =	vld [tilespmem:s24+$0xFFFFFEF0]  }
0x64: {  	v23 =	vld [tilespmem:s25+$0xFFFFFEF0]  }
0x65: {  	v16 =	vmul.f32 v16, v17;
	v17 =	vmul.f32 v19, v18;
	_ =	sdelay $0x1  }
0x66: {  	v16 =	vadd.f32 v17, v16;
	v17 =	vmul.f32 v20, v21;
	_ =	sdelay $0x1  }
0x67: {  	v16 =	vadd.f32 v17, v16;
	v17 =	vmul.f32 v22, v23;
	_ =	sdelay $0x1  }
0x68: {  	v16 =	vadd.f32 v17, v16;
	_ =	sdelay $0x1  }
0x69: {  	[tilespmem:$0x14A30] =	vst v16  }
0x6a: {  	v16 =	vld [tilespmem:s24+$0xFFFFFF10]  }
0x6b: {  	v17 =	vld [tilespmem:s25+$0xFFFFFF00]  }
0x6c: {  	v18 =	vld [tilespmem:s24+$0xFFFFFF00]  }
0x6d: {  	v19 =	vld [tilespmem:s25+$0xFFFFFF10]  }
0x6e: {  	v20 =	vld [tilespmem:s24+$0xFFFFFF20]  }
0x6f: {  	v21 =	vld [tilespmem:s25+$0xFFFFFF20]  }
0x70: {  	v22 =	vld [tilespmem:s24+$0xFFFFFF30]  }
0x71: {  	v23 =	vld [tilespmem:s25+$0xFFFFFF30]  }
0x72: {  	v17 =	vmul.f32 v18, v17;
	v16 =	vmul.f32 v16, v19;
	_ =	sdelay $0x1  }
0x73: {  	v16 =	vadd.f32 v16, v17;
	v17 =	vmul.f32 v20, v21;
	_ =	sdelay $0x1  }
0x74: {  	v16 =	vadd.f32 v17, v16;
	v17 =	vmul.f32 v22, v23;
	_ =	sdelay $0x1  }
0x75: {  	v16 =	vadd.f32 v17, v16;
	_ =	sdelay $0x1  }
0x76: {  	[tilespmem:$0x14A40] =	vst v16  }
0x77: {  	v16 =	vld [tilespmem:s24+$0xFFFFFF50]  }
0x78: {  	v17 =	vld [tilespmem:s25+$0xFFFFFF40]  }
0x79: {  	v18 =	vld [tilespmem:s24+$0xFFFFFF40]  }
0x7a: {  	v19 =	vld [tilespmem:s25+$0xFFFFFF50]  }
0x7b: {  	v20 =	vld [tilespmem:s24+$0xFFFFFF60]  }
0x7c: {  	v21 =	vld [tilespmem:s25+$0xFFFFFF60]  }
0x7d: {  	v22 =	vld [tilespmem:s24+$0xFFFFFF70]  }
0x7e: {  	v23 =	vld [tilespmem:s25+$0xFFFFFF70]  }
0x7f: {  	v17 =	vmul.f32 v18, v17;
	v16 =	vmul.f32 v16, v19;
	_ =	sdelay $0x1  }
0x80: {  	v16 =	vadd.f32 v16, v17;
	v17 =	vmul.f32 v20, v21;
	_ =	sdelay $0x1  }
0x81: {  	v16 =	vadd.f32 v17, v16;
	v17 =	vmul.f32 v22, v23;
	_ =	sdelay $0x1  }
0x82: {  	v16 =	vadd.f32 v17, v16;
	_ =	sdelay $0x1  }
0x83: {  	[tilespmem:$0x14A50] =	vst v16  }
0x84: {  	v16 =	vld [tilespmem:s24+$0xFFFFFF80]  }
0x85: {  	v17 =	vld [tilespmem:s24+$0xFFFFFF90]  }
0x86: {  	v18 =	vld [tilespmem:s25+$0xFFFFFF90]  }
0x87: {  	v19 =	vld [tilespmem:s25+$0xFFFFFF80]  }
0x88: {  	v20 =	vld [tilespmem:s24+$0xFFFFFFA0]  }
0x89: {  	v21 =	vld [tilespmem:s25+$0xFFFFFFA0]  }
0x8a: {  	v22 =	vld [tilespmem:s24+$0xFFFFFFB0]  }
0x8b: {  	v23 =	vld [tilespmem:s25+$0xFFFFFFB0]  }
0x8c: {  	v17 =	vmul.f32 v17, v18;
	v16 =	vmul.f32 v16, v19;
	_ =	sdelay $0x1  }
0x8d: {  	v16 =	vadd.f32 v17, v16;
	v17 =	vmul.f32 v20, v21;
	_ =	sdelay $0x1  }
0x8e: {  	v16 =	vadd.f32 v17, v16;
	v17 =	vmul.f32 v22, v23;
	_ =	sdelay $0x1  }
0x8f: {  	v16 =	vadd.f32 v17, v16;
	_ =	sdelay $0x1  }
0x90: {  	[tilespmem:$0x14A60] =	vst v16  }
0x91: {  	v16 =	vld [tilespmem:s24+$0xFFFFFFD0]  }
0x92: {  	v17 =	vld [tilespmem:s24+$0xFFFFFFC0]  }
0x93: {  	v18 =	vld [tilespmem:s25+$0xFFFFFFC0]  }
0x94: {  	v19 =	vld [tilespmem:s25+$0xFFFFFFD0]  }
0x95: {  	v20 =	vld [tilespmem:s24+$0xFFFFFFE0]  }
0x96: {  	v21 =	vld [tilespmem:s25+$0xFFFFFFE0]  }
0x97: {  	v22 =	vld [tilespmem:s24+$0xFFFFFFF0]  }
0x98: {  	v23 =	vld [tilespmem:s25+$0xFFFFFFF0]  }
0x99: {  	v17 =	vmul.f32 v17, v18;
	v16 =	vmul.f32 v16, v19;
	_ =	sdelay $0x1  }
0x9a: {  	v16 =	vadd.f32 v16, v17;
	v17 =	vmul.f32 v20, v21;
	_ =	sdelay $0x1  }
0x9b: {  	v16 =	vadd.f32 v17, v16;
	v17 =	vmul.f32 v22, v23;
	_ =	sdelay $0x1  }
0x9c: {  	v16 =	vadd.f32 v17, v16;
	_ =	sdelay $0x1  }
0x9d: {  	[tilespmem:$0x14A70] =	vst v16  }
0x9e: {  	v16 =	vld [tilespmem:s24+$0x0]  }
0x9f: {  	v17 =	vld [tilespmem:s24+$0x10]  }
0xa0: {  	v18 =	vld [tilespmem:s25+$0x0]  }
0xa1: {  	v19 =	vld [tilespmem:s25+$0x10]  }
0xa2: {  	v20 =	vld [tilespmem:s24+$0x20]  }
0xa3: {  	v21 =	vld [tilespmem:s25+$0x20]  }
0xa4: {  	v22 =	vld [tilespmem:s24+$0x30]  }
0xa5: {  	v23 =	vld [tilespmem:s25+$0x30]  }
0xa6: {  	v16 =	vmul.f32 v16, v18;
	v17 =	vmul.f32 v17, v19;
	_ =	sdelay $0x1  }
0xa7: {  	v16 =	vadd.f32 v17, v16;
	v17 =	vmul.f32 v20, v21;
	_ =	sdelay $0x1  }
0xa8: {  	v16 =	vadd.f32 v17, v16;
	v17 =	vmul.f32 v22, v23;
	_ =	sdelay $0x1  }
0xa9: {  	v16 =	vadd.f32 v17, v16;
	_ =	sdelay $0x1  }
0xaa: {  	[tilespmem:$0x14A80] =	vst v16  }
0xab: {  	v16 =	vld [tilespmem:s24+$0x40]  }
0xac: {  	v17 =	vld [tilespmem:s24+$0x50]  }
0xad: {  	v18 =	vld [tilespmem:s25+$0x40]  }
0xae: {  	v19 =	vld [tilespmem:s25+$0x50]  }
0xaf: {  	v20 =	vld [tilespmem:s25+$0x60]  }
0xb0: {  	v21 =	vld [tilespmem:s24+$0x60]  }
0xb1: {  	v22 =	vld [tilespmem:s25+$0x70]  }
0xb2: {  	v23 =	vld [tilespmem:s24+$0x70]  }
0xb3: {  	v16 =	vmul.f32 v16, v18;
	v17 =	vmul.f32 v17, v19;
	_ =	sdelay $0x1  }
0xb4: {  	v16 =	vadd.f32 v17, v16;
	v17 =	vmul.f32 v21, v20;
	_ =	sdelay $0x1  }
0xb5: {  	v16 =	vadd.f32 v17, v16;
	v17 =	vmul.f32 v23, v22;
	_ =	sdelay $0x1  }
0xb6: {  	v16 =	vadd.f32 v17, v16;
	_ =	sdelay $0x1  }
0xb7: {  	[tilespmem:$0x14A90] =	vst v16  }
0xb8: {  	v16 =	vld [tilespmem:s24+$0x80]  }
0xb9: {  	v17 =	vld [tilespmem:s24+$0x90]  }
0xba: {  	v18 =	vld [tilespmem:s25+$0x80]  }
0xbb: {  	v19 =	vld [tilespmem:s25+$0x90]  }
0xbc: {  	v20 =	vld [tilespmem:s25+$0xA0]  }
0xbd: {  	v21 =	vld [tilespmem:s24+$0xA0]  }
0xbe: {  	v22 =	vld [tilespmem:s25+$0xB0]  }
0xbf: {  	v23 =	vld [tilespmem:s24+$0xB0]  }
0xc0: {  	v16 =	vmul.f32 v16, v18;
	v17 =	vmul.f32 v17, v19;
	_ =	sdelay $0x1  }
0xc1: {  	v16 =	vadd.f32 v17, v16;
	v17 =	vmul.f32 v21, v20;
	_ =	sdelay $0x1  }
0xc2: {  	v16 =	vadd.f32 v17, v16;
	v17 =	vmul.f32 v23, v22;
	_ =	sdelay $0x1  }
0xc3: {  	v16 =	vadd.f32 v17, v16;
	_ =	sdelay $0x1  }
0xc4: {  	[tilespmem:$0x14AA0] =	vst v16  }
0xc5: {  	v16 =	vld [tilespmem:s24+$0xC0]  }
0xc6: {  	v17 =	vld [tilespmem:s24+$0xD0]  }
0xc7: {  	v18 =	vld [tilespmem:s25+$0xC0]  }
0xc8: {  	v19 =	vld [tilespmem:s25+$0xD0]  }
0xc9: {  	v20 =	vld [tilespmem:s25+$0xE0]  }
0xca: {  	v21 =	vld [tilespmem:s24+$0xE0]  }
0xcb: {  	v22 =	vld [tilespmem:s25+$0xF0]  }
0xcc: {  	v23 =	vld [tilespmem:s24+$0xF0]  }
0xcd: {  	v16 =	vmul.f32 v16, v18;
	v17 =	vmul.f32 v17, v19;
	_ =	sdelay $0x1  }
0xce: {  	v16 =	vadd.f32 v17, v16;
	v17 =	vmul.f32 v21, v20;
	_ =	sdelay $0x1  }
0xcf: {  	v16 =	vadd.f32 v17, v16;
	v17 =	vmul.f32 v23, v22;
	_ =	sdelay $0x1  }
0xd0: {  	v16 =	vadd.f32 v17, v16;
	_ =	sdelay $0x1  }
0xd1: {  	[tilespmem:$0x14AB0] =	vst v16  }
0xd2: {  	v16 =	vld [tilespmem:s24+$0x100]  }
0xd3: {  	v17 =	vld [tilespmem:s24+$0x110]  }
0xd4: {  	v18 =	vld [tilespmem:s25+$0x100]  }
0xd5: {  	v19 =	vld [tilespmem:s25+$0x110]  }
0xd6: {  	v20 =	vld [tilespmem:s25+$0x120]  }
0xd7: {  	v21 =	vld [tilespmem:s24+$0x120]  }
0xd8: {  	v22 =	vld [tilespmem:s25+$0x130]  }
0xd9: {  	v23 =	vld [tilespmem:s24+$0x130]  }
0xda: {  	v16 =	vmul.f32 v16, v18;
	v17 =	vmul.f32 v17, v19;
	_ =	sdelay $0x1  }
0xdb: {  	v16 =	vadd.f32 v17, v16;
	v17 =	vmul.f32 v21, v20;
	_ =	sdelay $0x1  }
0xdc: {  	v16 =	vadd.f32 v17, v16;
	v17 =	vmul.f32 v23, v22;
	_ =	sdelay $0x1  }
0xdd: {  	v16 =	vadd.f32 v17, v16;
	_ =	sdelay $0x1  }
0xde: {  	[tilespmem:$0x14AC0] =	vst v16  }
0xdf: {  	v16 =	vld [tilespmem:s24+$0x140]  }
0xe0: {  	v17 =	vld [tilespmem:s24+$0x150]  }
0xe1: {  	v18 =	vld [tilespmem:s25+$0x140]  }
0xe2: {  	v19 =	vld [tilespmem:s25+$0x150]  }
0xe3: {  	v20 =	vld [tilespmem:s25+$0x160]  }
0xe4: {  	v21 =	vld [tilespmem:s24+$0x160]  }
0xe5: {  	v22 =	vld [tilespmem:s25+$0x170]  }
0xe6: {  	v23 =	vld [tilespmem:s24+$0x170]  }
0xe7: {  	v16 =	vmul.f32 v16, v18;
	v17 =	vmul.f32 v17, v19;
	_ =	sdelay $0x1  }
0xe8: {  	v16 =	vadd.f32 v17, v16;
	v17 =	vmul.f32 v21, v20;
	_ =	sdelay $0x1  }
0xe9: {  	v16 =	vadd.f32 v17, v16;
	v17 =	vmul.f32 v23, v22;
	_ =	sdelay $0x1  }
0xea: {  	v16 =	vadd.f32 v17, v16;
	_ =	sdelay $0x1  }
0xeb: {  	[tilespmem:$0x14AD0] =	vst v16  }
0xec: {  	v16 =	vld [tilespmem:s24+$0x180]  }
0xed: {  	v17 =	vld [tilespmem:s24+$0x190]  }
0xee: {  	v18 =	vld [tilespmem:s25+$0x190]  }
0xef: {  	v19 =	vld [tilespmem:s25+$0x180]  }
0xf0: {  	v20 =	vld [tilespmem:s25+$0x1A0]  }
0xf1: {  	v21 =	vld [tilespmem:s24+$0x1A0]  }
0xf2: {  	v22 =	vld [tilespmem:s25+$0x1B0]  }
0xf3: {  	v23 =	vld [tilespmem:s24+$0x1B0]  }
0xf4: {  	v17 =	vmul.f32 v17, v18;
	v16 =	vmul.f32 v16, v19;
	_ =	sdelay $0x1  }
0xf5: {  	v16 =	vadd.f32 v17, v16;
	v17 =	vmul.f32 v21, v20;
	_ =	sdelay $0x1  }
0xf6: {  	v16 =	vadd.f32 v17, v16;
	v17 =	vmul.f32 v23, v22;
	_ =	sdelay $0x1  }
0xf7: {  	v16 =	vadd.f32 v17, v16;
	_ =	sdelay $0x1  }
0xf8: {  	[tilespmem:$0x14AE0] =	vst v16  }
0xf9: {  	v16 =	vld [tilespmem:s25+$0x1C0]  }
0xfa: {  	v17 =	vld [tilespmem:s24+$0x1C0]  }
0xfb: {  	v18 =	vld [tilespmem:s24+$0x1D0]  }
0xfc: {  	v19 =	vld [tilespmem:s25+$0x1D0]  }
0xfd: {  	v20 =	vld [tilespmem:s25+$0x1E0]  }
0xfe: {  	v21 =	vld [tilespmem:s24+$0x1E0]  }
0xff: {  	v22 =	vld [tilespmem:s25+$0x1F0]  }
0x100: {  	v23 =	vld [tilespmem:s24+$0x1F0]  }
0x101: {  	v16 =	vmul.f32 v17, v16;
	v17 =	vmul.f32 v18, v19;
	_ =	sdelay $0x1  }
0x102: {  	v16 =	vadd.f32 v17, v16;
	v17 =	vmul.f32 v21, v20;
	_ =	sdelay $0x1  }
0x103: {  	v16 =	vadd.f32 v17, v16;
	v17 =	vmul.f32 v23, v22;
	_ =	sdelay $0x1  }
0x104: {  	v16 =	vadd.f32 v17, v16;
	_ =	sdelay $0x1  }
0x105: {  	[tilespmem:$0x14AF0] =	vst v16  }
0x106: {  	v16 =	vld.idx.msk [tilespmem:v0+s20+$0x0], $0xffff  }
0x107: {  	v17 =	vld.idx.msk [tilespmem:v1+s20+$0x0], $0xffff;
	_ =	sdelay $0x1  }
0x108: {  	v18 =	vld.idx.msk [tilespmem:v2+s20+$0x0], $0xffff;
	_ =	sdelay $0x1  }
0x109: {  	v20 =	vld.idx.msk [tilespmem:v3+s20+$0x0], $0xffff  }
0x10a: {  	v21 =	vld.idx.msk [tilespmem:v4+s20+$0x0], $0xffff;
	v16 =	vadd.f32 v17, v16  }
0x10b: {  	v22 =	vld.idx.msk [tilespmem:v5+s20+$0x0], $0xffff  }
0x10c: {  	v23 =	vld.idx.msk [tilespmem:v6+s20+$0x0], $0xffff;
	v17 =	vadd.f32 v18, v16  }
0x10d: {  	s24 =	simm.s32 $0x0;
	v24 =	vld.idx.msk [tilespmem:v7+s20+$0x0], $0xffff  }
0x10e: {  	v25 =	vld [tilespmem:s24+$0x0];
	v17 =	vadd.f32 v20, v17  }
0x10f: {  	v19 =	vld.idx.msk [tilespmem:v8+s20+$0x0], $0xffff  }
0x110: {  	v26 =	vld [tilespmem:s23+$0x0];
	v20 =	vadd.f32 v21, v17  }
0x111: {  	v27 =	vmov s24;
	v16 =	vld.idx.msk [tilespmem:v9+s20+$0x0], $0xffff  }
0x112: {  	v27 =	vshll.u32 v27, $0x4;
	v18 =	vld.idx.msk [tilespmem:v11+s20+$0x0], $0xffff;
	v22 =	vadd.f32 v22, v20  }
0x113: {  	v27 =	vor.u32 v0, v27;
	v25 =	vand.u32 $0xF, v25;
	v17 =	vld.idx.msk [tilespmem:v10+s20+$0x0], $0xffff  }
0x114: {  	v25 =	vor.u32 v27, v25;
	v21 =	vld.idx.msk [tilespmem:v13+s20+$0x0], $0xffff;
	v28 =	vadd.f32 v23, v22  }
0x115: {  	v29 =	vand.u32 $0xF, v26;
	v20 =	vld.idx.msk [tilespmem:v12+s20+$0x0], $0xffff  }
0x116: {  	s26 =	simm.s32 $0x14800;
	s28 =	simm.s32 $0x10;
	v22 =	vld.idx.msk [tilespmem:v14+s20+$0x0], $0xffff;
	v26 =	vadd.f32 v24, v28;
	v24 =	vor.u32 v27, v29  }
0x117: {  	s29 =	simm.s32 $0xE00;
	s30 =	simm.s32 $0x8E00;
	s25 =	simm.s32 $0x14800;
	v23 =	vld.idx.msk [tilespmem:v15+s20+$0x0], $0xffff  }
.LBB2_4:
0x118: {  	v19 =	vadd.f32 v19, v26;
	s26 =	sadd.s32 $0x10, s26;
	s23 =	sadd.s32 $0x10, s23;
	s24 =	sadd.s32 $0x10, s24  }
0x119: {  	p0 =	sne.s32 s28, $0x1F0;
	s31 =	smov.u32 s28;
	s28 =	sadd.s32 $0x10, s28;
	v25 =	vld.idx.msk [tilespmem:v25+s16+$0x0], $0xffff  }
0x11a: {  	v16 =	vadd.f32 v16, v19  }
0x11b: {  	v19 =	vld.idx.msk [tilespmem:v24+s18+$0x0], $0xffff  }
0x11c: {  	v16 =	vadd.f32 v17, v16;
	_ =	sdelay $0x1  }
0x11d: {  	v16 =	vadd.f32 v18, v16;
	_ =	sdelay $0x1  }
0x11e: {  	v16 =	vadd.f32 v20, v16;
	_ =	sdelay $0x1  }
0x11f: {  	v16 =	vadd.f32 v21, v16;
	_ =	sdelay $0x1  }
0x120: {  	v16 =	vadd.f32 v22, v16;
	_ =	sdelay $0x1  }
0x121: {  	v16 =	vadd.f32 v23, v16;
	_ =	sdelay $0x1  }
0x122: {  	v16 =	vadd.f32 v25, v16;
	_ =	sdelay $0x1  }
0x123: {  	v16 =	vadd.f32 v19, v16;
	_ =	sdelay $0x1  }
0x124: {  	v16 =	vsub.f32 $0.0e+00, v16;
	_ =	sdelay $0x1  }
0x125: {  	v16 =	vmul.f32 $1.442695020e+00, v16;
	_ =	sdelay $0x1  }
0x126: {  	(erf) = vpow2.f32 v16;
	_ =	sdelay $0x8  }
0x127: {  	v16 =	vpop (erf)  }
0x128: {  	v16 =	vadd.f32 $1.000000000e+00, v16;
	_ =	sdelay $0x1  }
0x129: {  	(erf) = vrcp.f32 v16;
	_ =	sdelay $0x8  }
0x12a: {  	v16 =	vpop (erf)  }
0x12b: {  	[tilespmem:s25+$0x0] =	vst v16;
	s25 =	smov.u32 s26  }
0x12c: {  	v16 =	vld [tilespmem:s29+$0xFFFFFE00]  }
0x12d: {  	v17 =	vld [tilespmem:s30+$0xFFFFFE10]  }
0x12e: {  	v18 =	vld [tilespmem:s29+$0xFFFFFE10]  }
0x12f: {  	v19 =	vld [tilespmem:s30+$0xFFFFFE00]  }
0x130: {  	v20 =	vld [tilespmem:s30+$0xFFFFFE20]  }
0x131: {  	v21 =	vld [tilespmem:s29+$0xFFFFFE20]  }
0x132: {  	v22 =	vld [tilespmem:s30+$0xFFFFFE30]  }
0x133: {  	v17 =	vmul.f32 v17, v18;
	v18 =	vld [tilespmem:s29+$0xFFFFFE30]  }
0x134: {  	v16 =	vmul.f32 v19, v16;
	_ =	sdelay $0x1  }
0x135: {  	v16 =	vadd.f32 v17, v16;
	v17 =	vmul.f32 v20, v21;
	_ =	sdelay $0x1  }
0x136: {  	v16 =	vadd.f32 v17, v16;
	v17 =	vmul.f32 v22, v18;
	_ =	sdelay $0x1  }
0x137: {  	v16 =	vadd.f32 v17, v16;
	_ =	sdelay $0x1  }
0x138: {  	[tilespmem:$0x14A00] =	vst v16  }
0x139: {  	v16 =	vld [tilespmem:s30+$0xFFFFFE50]  }
0x13a: {  	v17 =	vld [tilespmem:s29+$0xFFFFFE40]  }
0x13b: {  	v18 =	vld [tilespmem:s29+$0xFFFFFE50]  }
0x13c: {  	v19 =	vld [tilespmem:s30+$0xFFFFFE40]  }
0x13d: {  	v20 =	vld [tilespmem:s30+$0xFFFFFE60]  }
0x13e: {  	v21 =	vld [tilespmem:s29+$0xFFFFFE60]  }
0x13f: {  	v22 =	vld [tilespmem:s30+$0xFFFFFE70]  }
0x140: {  	v16 =	vmul.f32 v16, v18;
	v18 =	vld [tilespmem:s29+$0xFFFFFE70]  }
0x141: {  	v17 =	vmul.f32 v19, v17;
	_ =	sdelay $0x1  }
0x142: {  	v16 =	vadd.f32 v16, v17;
	v17 =	vmul.f32 v20, v21;
	_ =	sdelay $0x1  }
0x143: {  	v16 =	vadd.f32 v17, v16;
	v17 =	vmul.f32 v22, v18;
	_ =	sdelay $0x1  }
0x144: {  	v16 =	vadd.f32 v17, v16;
	_ =	sdelay $0x1  }
0x145: {  	[tilespmem:$0x14A10] =	vst v16  }
0x146: {  	v16 =	vld [tilespmem:s29+$0xFFFFFE80]  }
0x147: {  	v17 =	vld [tilespmem:s30+$0xFFFFFE80]  }
0x148: {  	v18 =	vld [tilespmem:s30+$0xFFFFFE90]  }
0x149: {  	v19 =	vld [tilespmem:s29+$0xFFFFFE90]  }
0x14a: {  	v20 =	vld [tilespmem:s30+$0xFFFFFEA0]  }
0x14b: {  	v21 =	vld [tilespmem:s29+$0xFFFFFEA0]  }
0x14c: {  	v16 =	vmul.f32 v17, v16;
	v17 =	vld [tilespmem:s30+$0xFFFFFEB0]  }
0x14d: {  	v22 =	vld [tilespmem:s29+$0xFFFFFEB0]  }
0x14e: {  	v18 =	vmul.f32 v18, v19;
	_ =	sdelay $0x1  }
0x14f: {  	v16 =	vadd.f32 v18, v16;
	v18 =	vmul.f32 v20, v21;
	_ =	sdelay $0x1  }
0x150: {  	v16 =	vadd.f32 v18, v16;
	v17 =	vmul.f32 v17, v22;
	_ =	sdelay $0x1  }
0x151: {  	v16 =	vadd.f32 v17, v16;
	_ =	sdelay $0x1  }
0x152: {  	[tilespmem:$0x14A20] =	vst v16  }
0x153: {  	v16 =	vld [tilespmem:s30+$0xFFFFFEC0]  }
0x154: {  	v17 =	vld [tilespmem:s29+$0xFFFFFEC0]  }
0x155: {  	v18 =	vld [tilespmem:s29+$0xFFFFFED0]  }
0x156: {  	v19 =	vld [tilespmem:s30+$0xFFFFFED0]  }
0x157: {  	v20 =	vld [tilespmem:s30+$0xFFFFFEE0]  }
0x158: {  	v21 =	vld [tilespmem:s29+$0xFFFFFEE0]  }
0x159: {  	v16 =	vmul.f32 v16, v17;
	v17 =	vld [tilespmem:s30+$0xFFFFFEF0]  }
0x15a: {  	v22 =	vld [tilespmem:s29+$0xFFFFFEF0]  }
0x15b: {  	v18 =	vmul.f32 v19, v18;
	_ =	sdelay $0x1  }
0x15c: {  	v16 =	vadd.f32 v18, v16;
	v18 =	vmul.f32 v20, v21;
	_ =	sdelay $0x1  }
0x15d: {  	v16 =	vadd.f32 v18, v16;
	v17 =	vmul.f32 v17, v22;
	_ =	sdelay $0x1  }
0x15e: {  	v16 =	vadd.f32 v17, v16;
	_ =	sdelay $0x1  }
0x15f: {  	[tilespmem:$0x14A30] =	vst v16  }
0x160: {  	v16 =	vld [tilespmem:s30+$0xFFFFFF10]  }
0x161: {  	v17 =	vld [tilespmem:s29+$0xFFFFFF00]  }
0x162: {  	v18 =	vld [tilespmem:s30+$0xFFFFFF00]  }
0x163: {  	v19 =	vld [tilespmem:s29+$0xFFFFFF10]  }
0x164: {  	v20 =	vld [tilespmem:s30+$0xFFFFFF20]  }
0x165: {  	v21 =	vld [tilespmem:s29+$0xFFFFFF20]  }
0x166: {  	v22 =	vld [tilespmem:s30+$0xFFFFFF30]  }
0x167: {  	v17 =	vmul.f32 v18, v17;
	v18 =	vld [tilespmem:s29+$0xFFFFFF30]  }
0x168: {  	v16 =	vmul.f32 v16, v19;
	_ =	sdelay $0x1  }
0x169: {  	v16 =	vadd.f32 v16, v17;
	v17 =	vmul.f32 v20, v21;
	_ =	sdelay $0x1  }
0x16a: {  	v16 =	vadd.f32 v17, v16;
	v17 =	vmul.f32 v22, v18;
	_ =	sdelay $0x1  }
0x16b: {  	v16 =	vadd.f32 v17, v16;
	_ =	sdelay $0x1  }
0x16c: {  	[tilespmem:$0x14A40] =	vst v16  }
0x16d: {  	v16 =	vld [tilespmem:s30+$0xFFFFFF50]  }
0x16e: {  	v17 =	vld [tilespmem:s29+$0xFFFFFF40]  }
0x16f: {  	v18 =	vld [tilespmem:s30+$0xFFFFFF40]  }
0x170: {  	v19 =	vld [tilespmem:s29+$0xFFFFFF50]  }
0x171: {  	v20 =	vld [tilespmem:s30+$0xFFFFFF60]  }
0x172: {  	v21 =	vld [tilespmem:s29+$0xFFFFFF60]  }
0x173: {  	v22 =	vld [tilespmem:s30+$0xFFFFFF70]  }
0x174: {  	v17 =	vmul.f32 v18, v17;
	v18 =	vld [tilespmem:s29+$0xFFFFFF70]  }
0x175: {  	v16 =	vmul.f32 v16, v19;
	_ =	sdelay $0x1  }
0x176: {  	v16 =	vadd.f32 v16, v17;
	v17 =	vmul.f32 v20, v21;
	_ =	sdelay $0x1  }
0x177: {  	v16 =	vadd.f32 v17, v16;
	v17 =	vmul.f32 v22, v18;
	_ =	sdelay $0x1  }
0x178: {  	v16 =	vadd.f32 v17, v16;
	_ =	sdelay $0x1  }
0x179: {  	[tilespmem:$0x14A50] =	vst v16  }
0x17a: {  	v16 =	vld [tilespmem:s30+$0xFFFFFF80]  }
0x17b: {  	v17 =	vld [tilespmem:s30+$0xFFFFFF90]  }
0x17c: {  	v18 =	vld [tilespmem:s29+$0xFFFFFF90]  }
0x17d: {  	v19 =	vld [tilespmem:s29+$0xFFFFFF80]  }
0x17e: {  	v20 =	vld [tilespmem:s30+$0xFFFFFFA0]  }
0x17f: {  	v21 =	vld [tilespmem:s29+$0xFFFFFFA0]  }
0x180: {  	v22 =	vld [tilespmem:s30+$0xFFFFFFB0]  }
0x181: {  	v17 =	vmul.f32 v17, v18;
	v18 =	vld [tilespmem:s29+$0xFFFFFFB0]  }
0x182: {  	v16 =	vmul.f32 v16, v19;
	_ =	sdelay $0x1  }
0x183: {  	v16 =	vadd.f32 v17, v16;
	v17 =	vmul.f32 v20, v21;
	_ =	sdelay $0x1  }
0x184: {  	v16 =	vadd.f32 v17, v16;
	v17 =	vmul.f32 v22, v18;
	_ =	sdelay $0x1  }
0x185: {  	v16 =	vadd.f32 v17, v16;
	_ =	sdelay $0x1  }
0x186: {  	[tilespmem:$0x14A60] =	vst v16  }
0x187: {  	v16 =	vld [tilespmem:s30+$0xFFFFFFD0]  }
0x188: {  	v17 =	vld [tilespmem:s30+$0xFFFFFFC0]  }
0x189: {  	v18 =	vld [tilespmem:s29+$0xFFFFFFC0]  }
0x18a: {  	v19 =	vld [tilespmem:s29+$0xFFFFFFD0]  }
0x18b: {  	v20 =	vld [tilespmem:s30+$0xFFFFFFE0]  }
0x18c: {  	v21 =	vld [tilespmem:s29+$0xFFFFFFE0]  }
0x18d: {  	v22 =	vld [tilespmem:s30+$0xFFFFFFF0]  }
0x18e: {  	v17 =	vmul.f32 v17, v18;
	v18 =	vld [tilespmem:s29+$0xFFFFFFF0]  }
0x18f: {  	v16 =	vmul.f32 v16, v19;
	_ =	sdelay $0x1  }
0x190: {  	v16 =	vadd.f32 v16, v17;
	v17 =	vmul.f32 v20, v21;
	_ =	sdelay $0x1  }
0x191: {  	v16 =	vadd.f32 v17, v16;
	v17 =	vmul.f32 v22, v18;
	_ =	sdelay $0x1  }
0x192: {  	v16 =	vadd.f32 v17, v16;
	_ =	sdelay $0x1  }
0x193: {  	[tilespmem:$0x14A70] =	vst v16  }
0x194: {  	v16 =	vld [tilespmem:s30+$0x0]  }
0x195: {  	v17 =	vld [tilespmem:s30+$0x10]  }
0x196: {  	v18 =	vld [tilespmem:s29+$0x0]  }
0x197: {  	v19 =	vld [tilespmem:s29+$0x10]  }
0x198: {  	v20 =	vld [tilespmem:s30+$0x20]  }
0x199: {  	v21 =	vld [tilespmem:s29+$0x20]  }
0x19a: {  	v22 =	vld [tilespmem:s30+$0x30]  }
0x19b: {  	v16 =	vmul.f32 v16, v18;
	v18 =	vld [tilespmem:s29+$0x30]  }
0x19c: {  	v17 =	vmul.f32 v17, v19;
	_ =	sdelay $0x1  }
0x19d: {  	v16 =	vadd.f32 v17, v16;
	v17 =	vmul.f32 v20, v21;
	_ =	sdelay $0x1  }
0x19e: {  	v16 =	vadd.f32 v17, v16;
	v17 =	vmul.f32 v22, v18;
	_ =	sdelay $0x1  }
0x19f: {  	v16 =	vadd.f32 v17, v16;
	_ =	sdelay $0x1  }
0x1a0: {  	[tilespmem:$0x14A80] =	vst v16  }
0x1a1: {  	v16 =	vld [tilespmem:s30+$0x40]  }
0x1a2: {  	v17 =	vld [tilespmem:s30+$0x50]  }
0x1a3: {  	v18 =	vld [tilespmem:s29+$0x40]  }
0x1a4: {  	v19 =	vld [tilespmem:s29+$0x50]  }
0x1a5: {  	v20 =	vld [tilespmem:s29+$0x60]  }
0x1a6: {  	v21 =	vld [tilespmem:s30+$0x60]  }
0x1a7: {  	v22 =	vld [tilespmem:s29+$0x70]  }
0x1a8: {  	v16 =	vmul.f32 v16, v18;
	v18 =	vld [tilespmem:s30+$0x70]  }
0x1a9: {  	v17 =	vmul.f32 v17, v19;
	_ =	sdelay $0x1  }
0x1aa: {  	v16 =	vadd.f32 v17, v16;
	v17 =	vmul.f32 v21, v20;
	_ =	sdelay $0x1  }
0x1ab: {  	v16 =	vadd.f32 v17, v16;
	v17 =	vmul.f32 v18, v22;
	_ =	sdelay $0x1  }
0x1ac: {  	v16 =	vadd.f32 v17, v16;
	_ =	sdelay $0x1  }
0x1ad: {  	[tilespmem:$0x14A90] =	vst v16  }
0x1ae: {  	v16 =	vld [tilespmem:s30+$0x80]  }
0x1af: {  	v17 =	vld [tilespmem:s30+$0x90]  }
0x1b0: {  	v18 =	vld [tilespmem:s29+$0x80]  }
0x1b1: {  	v19 =	vld [tilespmem:s29+$0x90]  }
0x1b2: {  	v20 =	vld [tilespmem:s29+$0xA0]  }
0x1b3: {  	v21 =	vld [tilespmem:s30+$0xA0]  }
0x1b4: {  	v22 =	vld [tilespmem:s29+$0xB0]  }
0x1b5: {  	v16 =	vmul.f32 v16, v18;
	v18 =	vld [tilespmem:s30+$0xB0]  }
0x1b6: {  	v17 =	vmul.f32 v17, v19;
	_ =	sdelay $0x1  }
0x1b7: {  	v16 =	vadd.f32 v17, v16;
	v17 =	vmul.f32 v21, v20;
	_ =	sdelay $0x1  }
0x1b8: {  	v16 =	vadd.f32 v17, v16;
	v17 =	vmul.f32 v18, v22;
	_ =	sdelay $0x1  }
0x1b9: {  	v16 =	vadd.f32 v17, v16;
	_ =	sdelay $0x1  }
0x1ba: {  	[tilespmem:$0x14AA0] =	vst v16  }
0x1bb: {  	v16 =	vld [tilespmem:s30+$0xC0]  }
0x1bc: {  	v17 =	vld [tilespmem:s30+$0xD0]  }
0x1bd: {  	v18 =	vld [tilespmem:s29+$0xC0]  }
0x1be: {  	v19 =	vld [tilespmem:s29+$0xD0]  }
0x1bf: {  	v20 =	vld [tilespmem:s29+$0xE0]  }
0x1c0: {  	v21 =	vld [tilespmem:s30+$0xE0]  }
0x1c1: {  	v22 =	vld [tilespmem:s29+$0xF0]  }
0x1c2: {  	v16 =	vmul.f32 v16, v18;
	v18 =	vld [tilespmem:s30+$0xF0]  }
0x1c3: {  	v17 =	vmul.f32 v17, v19;
	_ =	sdelay $0x1  }
0x1c4: {  	v16 =	vadd.f32 v17, v16;
	v17 =	vmul.f32 v21, v20;
	_ =	sdelay $0x1  }
0x1c5: {  	v16 =	vadd.f32 v17, v16;
	v17 =	vmul.f32 v18, v22;
	_ =	sdelay $0x1  }
0x1c6: {  	v16 =	vadd.f32 v17, v16;
	_ =	sdelay $0x1  }
0x1c7: {  	[tilespmem:$0x14AB0] =	vst v16  }
0x1c8: {  	v16 =	vld [tilespmem:s30+$0x100]  }
0x1c9: {  	v17 =	vld [tilespmem:s30+$0x110]  }
0x1ca: {  	v18 =	vld [tilespmem:s29+$0x100]  }
0x1cb: {  	v19 =	vld [tilespmem:s29+$0x110]  }
0x1cc: {  	v20 =	vld [tilespmem:s29+$0x120]  }
0x1cd: {  	v21 =	vld [tilespmem:s30+$0x120]  }
0x1ce: {  	v22 =	vld [tilespmem:s29+$0x130]  }
0x1cf: {  	v16 =	vmul.f32 v16, v18;
	v18 =	vld [tilespmem:s30+$0x130]  }
0x1d0: {  	v17 =	vmul.f32 v17, v19;
	_ =	sdelay $0x1  }
0x1d1: {  	v16 =	vadd.f32 v17, v16;
	v17 =	vmul.f32 v21, v20;
	_ =	sdelay $0x1  }
0x1d2: {  	v16 =	vadd.f32 v17, v16;
	v17 =	vmul.f32 v18, v22;
	_ =	sdelay $0x1  }
0x1d3: {  	v16 =	vadd.f32 v17, v16;
	_ =	sdelay $0x1  }
0x1d4: {  	[tilespmem:$0x14AC0] =	vst v16  }
0x1d5: {  	v16 =	vld [tilespmem:s30+$0x140]  }
0x1d6: {  	v17 =	vld [tilespmem:s30+$0x150]  }
0x1d7: {  	v18 =	vld [tilespmem:s29+$0x140]  }
0x1d8: {  	v19 =	vld [tilespmem:s29+$0x150]  }
0x1d9: {  	v20 =	vld [tilespmem:s29+$0x160]  }
0x1da: {  	v21 =	vld [tilespmem:s30+$0x160]  }
0x1db: {  	v22 =	vld [tilespmem:s29+$0x170]  }
0x1dc: {  	v16 =	vmul.f32 v16, v18;
	v18 =	vld [tilespmem:s30+$0x170]  }
0x1dd: {  	v17 =	vmul.f32 v17, v19;
	_ =	sdelay $0x1  }
0x1de: {  	v16 =	vadd.f32 v17, v16;
	v17 =	vmul.f32 v21, v20;
	_ =	sdelay $0x1  }
0x1df: {  	v16 =	vadd.f32 v17, v16;
	v17 =	vmul.f32 v18, v22;
	_ =	sdelay $0x1  }
0x1e0: {  	v16 =	vadd.f32 v17, v16;
	_ =	sdelay $0x1  }
0x1e1: {  	[tilespmem:$0x14AD0] =	vst v16  }
0x1e2: {  	v16 =	vld [tilespmem:s30+$0x180]  }
0x1e3: {  	v17 =	vld [tilespmem:s30+$0x190]  }
0x1e4: {  	v18 =	vld [tilespmem:s29+$0x190]  }
0x1e5: {  	v19 =	vld [tilespmem:s29+$0x180]  }
0x1e6: {  	v20 =	vld [tilespmem:s29+$0x1A0]  }
0x1e7: {  	v21 =	vld [tilespmem:s30+$0x1A0]  }
0x1e8: {  	v22 =	vld [tilespmem:s29+$0x1B0]  }
0x1e9: {  	v17 =	vmul.f32 v17, v18;
	v18 =	vld [tilespmem:s30+$0x1B0]  }
0x1ea: {  	v16 =	vmul.f32 v16, v19;
	_ =	sdelay $0x1  }
0x1eb: {  	v16 =	vadd.f32 v17, v16;
	v17 =	vmul.f32 v21, v20;
	_ =	sdelay $0x1  }
0x1ec: {  	v16 =	vadd.f32 v17, v16;
	v17 =	vmul.f32 v18, v22;
	_ =	sdelay $0x1  }
0x1ed: {  	v16 =	vadd.f32 v17, v16;
	_ =	sdelay $0x1  }
0x1ee: {  	[tilespmem:$0x14AE0] =	vst v16  }
0x1ef: {  	v16 =	vld [tilespmem:s29+$0x1C0]  }
0x1f0: {  	v17 =	vld [tilespmem:s30+$0x1C0]  }
0x1f1: {  	v18 =	vld [tilespmem:s30+$0x1D0]  }
0x1f2: {  	v19 =	vld [tilespmem:s29+$0x1D0]  }
0x1f3: {  	v20 =	vld [tilespmem:s29+$0x1E0]  }
0x1f4: {  	v21 =	vld [tilespmem:s30+$0x1E0]  }
0x1f5: {  	v16 =	vmul.f32 v17, v16;
	v17 =	vld [tilespmem:s29+$0x1F0]  }
0x1f6: {  	v22 =	vld [tilespmem:s30+$0x1F0]  }
0x1f7: {  	v18 =	vmul.f32 v18, v19;
	_ =	sdelay $0x1  }
0x1f8: {  	v16 =	vadd.f32 v18, v16;
	v18 =	vmul.f32 v21, v20;
	_ =	sdelay $0x1  }
0x1f9: {  	v16 =	vadd.f32 v18, v16;
	v17 =	vmul.f32 v22, v17;
	_ =	sdelay $0x1  }
0x1fa: {  	v16 =	vadd.f32 v17, v16;
	_ =	sdelay $0x1  }
0x1fb: {  	[tilespmem:$0x14AF0] =	vst v16  }
0x1fc: {  	v16 =	vld.idx.msk [tilespmem:v0+s20+$0x0], $0xffff  }
0x1fd: {  	v17 =	vld.idx.msk [tilespmem:v1+s20+$0x0], $0xffff  }
0x1fe: {  	v18 =	vld.idx.msk [tilespmem:v2+s20+$0x0], $0xffff  }
0x1ff: {  	v20 =	vld.idx.msk [tilespmem:v3+s20+$0x0], $0xffff  }
0x200: {  	v21 =	vld.idx.msk [tilespmem:v4+s20+$0x0], $0xffff  }
0x201: {  	v22 =	vld.idx.msk [tilespmem:v5+s20+$0x0], $0xffff  }
0x202: {  	v23 =	vld.idx.msk [tilespmem:v6+s20+$0x0], $0xffff  }
0x203: {  	v16 =	vadd.f32 v17, v16;
	v24 =	vld.idx.msk [tilespmem:v7+s20+$0x0], $0xffff  }
0x204: {  	v19 =	vld.idx.msk [tilespmem:v8+s20+$0x0], $0xffff  }
0x205: {  	v18 =	vadd.f32 v18, v16;
	v16 =	vld.idx.msk [tilespmem:v9+s20+$0x0], $0xffff  }
0x206: {  	v17 =	vld.idx.msk [tilespmem:v10+s20+$0x0], $0xffff  }
0x207: {  	v20 =	vadd.f32 v20, v18;
	v25 =	vld [tilespmem:s24+$0x0]  }
0x208: {  	v18 =	vld.idx.msk [tilespmem:v11+s20+$0x0], $0xffff  }
0x209: {  	v21 =	vadd.f32 v21, v20;
	v26 =	vld [tilespmem:s23+$0x0]  }
0x20a: {  	v27 =	vmov s31;
	v20 =	vld.idx.msk [tilespmem:v12+s20+$0x0], $0xffff  }
0x20b: {  	v27 =	vshll.u32 v27, $0x4;
	v28 =	vadd.f32 v22, v21;
	v21 =	vld.idx.msk [tilespmem:v13+s20+$0x0], $0xffff  }
.Ltmp1:
0x20c: {  	v27 =	vor.u32 v0, v27;
	v22 =	vld.idx.msk [tilespmem:v14+s20+$0x0], $0xffff;
	v25 =	vand.u32 $0xF, v25;
	(pc) =	sbr.rel @p0 .LBB2_4-.Ltmp1, $4  }
0x20d: {  	v28 =	vadd.f32 v23, v28;
	v23 =	vld.idx.msk [tilespmem:v15+s20+$0x0], $0xffff;
	v25 =	vor.u32 v27, v25  }
0x20e: {  	v29 =	vand.u32 $0xF, v26  }
0x20f: {  	v26 =	vadd.f32 v24, v28;
	v24 =	vor.u32 v27, v29  }
0x210: {  	s29 =	sadd.s32 $0x400, s29;
	s30 =	sadd.s32 $0x400, s30  }
0x211: {  	v19 =	vadd.f32 v19, v26;
	_ =	sdelay $0x1  }
0x212: {  	v16 =	vadd.f32 v16, v19;
	_ =	sdelay $0x1  }
0x213: {  	v16 =	vadd.f32 v17, v16;
	_ =	sdelay $0x1  }
0x214: {  	v16 =	vadd.f32 v18, v16;
	_ =	sdelay $0x1  }
0x215: {  	v16 =	vadd.f32 v20, v16;
	_ =	sdelay $0x1  }
0x216: {  	v16 =	vadd.f32 v21, v16  }
0x217: {  	v17 =	vld.idx.msk [tilespmem:v25+s16+$0x0], $0xffff  }
0x218: {  	v16 =	vadd.f32 v22, v16  }
0x219: {  	v63 =	vld.idx.msk [tilespmem:v24+s18+$0x0], $0xffff  }
0x21a: {  	v16 =	vadd.f32 v23, v16;
	_ =	sdelay $0x1  }
0x21b: {  	v16 =	vadd.f32 v17, v16;
	_ =	sdelay $0x1  }
0x21c: {  	v16 =	vadd.f32 v63, v16;
	_ =	sdelay $0x1  }
0x21d: {  	v16 =	vsub.f32 $0.0e+00, v16;
	_ =	sdelay $0x1  }
0x21e: {  	v16 =	vmul.f32 $1.442695020e+00, v16;
	_ =	sdelay $0x1  }
0x21f: {  	(erf) = vpow2.f32 v16;
	_ =	sdelay $0x8  }
0x220: {  	v16 =	vpop (erf)  }
0x221: {  	v16 =	vadd.f32 $1.000000000e+00, v16;
	_ =	sdelay $0x1  }
0x222: {  	(erf) = vrcp.f32 v16;
	_ =	sdelay $0x7  }
0x223: {  	s22 =	sadd.s32 $0x1, s22  }
0x224: {  	p0 =	sne.s32 s22, s10;
	v16 =	vpop (erf)  }
.Ltmp2:
0x225: {  	[tilespmem:s25+$0x0] =	vst v16;
	(pc) =	sbr.rel @p0 .LBB2_1-.Ltmp2, $4  }
0x226: {  	[hbm4b:s9+s2] =	stream.linear.scatter [tilespmem:s21], [sflag:$0x2], $0x200, $0x38;
	[tilespmem:$0x14B00] =	vst v63  }
0x227: {  	_ =	swait.ge [sflag:s11], $0x200  }
0x228: {  	[sflag:s11] =	ssyncset.done $0x0  }
0x229: {  	[sflag:s11] =	ssyncadd.s32 $0xFFFFFE00  }
0x22a: {  	_ =	sfence.sel $0x180000  }
0x22b: {  	[bflag:$0x0] =	sbarrier.arrive $0xFFFF  }
0x22c: {  	p0 =	sne.s32 s3, $0x0;
	_ =	strace $0x90000047  }
0x22d: {  	s0 =	sadd.s32 @!p0 $0x100000, s0;
	[bflag:$0x2] =	sbarrier.arrive $0xFFFF  }
0x22e: {  	[sflag:s0] =	ssyncadd.tile.s32 @!p0 $0x1;
	_ =	shalt  }
.Lfunc_end2:
_tile_overlayer_lowered:
.L_overlay_start_2:
0x22f: {  	(tag) =	ssettag $0x2  }
0x230: {  	s0 =	rddreg [dreg:$0x0];
	s2 =	stileid.u32  }
0x231: {  	s1 =	rddreg [dreg:$0x1];
	p0 =	sne.s32 s2, $0x0  }
0x232: {  	s3 =	rddreg [dreg:$0x2];
	[bflag:$0x3] =	sbarrier.arrive $0xFFFF;
	s2 =	simm.s32 @!p0 $0x1C02  }
0x233: {  	[timem:s3], [sflag:s2] =	dma.local @!p0 [hbm:s0], s1  }
0x234: {  	s0 =	simm.s32 @!p0 $0x2  }
0x235: {  	_ =	swait.ge @!p0 [sflag:s0], s1  }
0x236: {  	s1 =	ssub.s32 @!p0 $0x0, s1;
	[sflag:s0] =	ssyncset.done @!p0 $0x0  }
0x237: {  	[sflag:s0] =	ssyncadd.s32 @!p0 s1  }
0x238: {  	[bflag:$0x3] =	sbarrier.arrive $0xFFFF  }
0x239: {  	_ =	shalt  }

</sc_bundles>
